<compile_context>
chip_gen: v7x
topology: tpu7x:2x2x1
jax: 0.10.2.dev20260603
libtpu: 0.0.44.dev20260713+nightly
codegen_flags: <defaults>
</compile_context>

<pallas_src>
import functools

import jax
import jax.numpy as jnp
from jax import lax
from jax.experimental import pallas as pl
from jax.experimental.pallas import tpu as pltpu
from jax.experimental.pallas import tpu_sc as plsc

_SYM = (0, 2, 5, 8)
_BS = 8
_NP = 2048
_L = 16
_NC = 2
_NS = 16
_NW = _NC * _NS
_QSC = 256
_QTC = _NP - _QSC
_QPW = _QSC // _NW
_NRV = _NP // _L
_QG = _QSC // _NW
_SS = 8
_F32_BIG = 3.0e38


def _bcast_lane(vec, k):
    idx = jnp.full((_L, 1), k, dtype=jnp.int32)
    return lax.gather(
        vec, idx,
        lax.GatherDimensionNumbers(
            offset_dims=(), collapsed_slice_dims=(0,), start_index_map=(0,)),
        (1,), mode=lax.GatherScatterMode.PROMISE_IN_BOUNDS)


def _rot(vec, off):
    idx = ((lax.iota(jnp.int32, _L) + off) & 15)[:, None]
    return lax.gather(
        vec, idx,
        lax.GatherDimensionNumbers(
            offset_dims=(), collapsed_slice_dims=(0,), start_index_map=(0,)),
        (1,), mode=lax.GatherScatterMode.PROMISE_IN_BOUNDS)


def _sqrt16(x):
    xc = jnp.maximum(x, jnp.float32(1e-30))
    i = lax.bitcast_convert_type(xc, jnp.int32)
    y = lax.bitcast_convert_type(jnp.int32(0x5F3759DF) - (i >> 1), jnp.float32)
    half = jnp.float32(0.5) * xc
    for _ in range(3):
        y = y * (jnp.float32(1.5) - half * y * y)
    return jnp.maximum(x, jnp.float32(0.0)) * y


def _make_sc_kernel():
    mesh = plsc.VectorSubcoreMesh(core_axis_name="c", subcore_axis_name="s")

    @functools.partial(
        pl.kernel,
        mesh=mesh,
        compiler_params=pltpu.CompilerParams(needs_layout_passes=False),
        out_type=jax.ShapeDtypeStruct((_NW, _L), jnp.float32),
        scratch_types=[
            pltpu.VMEM((_BS * 3 * _NP,), jnp.float32),
            pltpu.VMEM((_NP,), jnp.float32),
            pltpu.VMEM((_BS * 3 * _SS,), jnp.float32),
            pltpu.VMEM((_BS * _L,), jnp.float32),
            pltpu.VMEM((_L,), jnp.float32),
        ],
    )
    def sck(tt_hbm, mq_hbm, h_hbm, out_hbm, ref_v, rsq_v, mp_v, h_v,
            res_v):
        cid = lax.axis_index("c")
        sid = lax.axis_index("s")
        wid = sid * _NC + cid
        qbase = wid * _QPW
        lanes = lax.iota(jnp.int32, _L)
        goff = qbase % _SS
        qal = qbase - goff

        pltpu.sync_copy(tt_hbm, ref_v)
        pltpu.sync_copy(mq_hbm.at[wid], mp_v)
        pltpu.sync_copy(h_hbm, h_v)

        def batch_body(b, res):
            hv = h_v[pl.ds(b * _L, _L)]
            tb = b * (3 * _NP)
            mb = b * (3 * _SS)
            r00 = _bcast_lane(hv, 0)
            r01 = _bcast_lane(hv, 1)
            r02 = _bcast_lane(hv, 2)
            tx = _bcast_lane(hv, 3)
            r10 = _bcast_lane(hv, 4)
            r11 = _bcast_lane(hv, 5)
            r12 = _bcast_lane(hv, 6)
            ty = _bcast_lane(hv, 7)
            r20 = _bcast_lane(hv, 8)
            r21 = _bcast_lane(hv, 9)
            r22 = _bcast_lane(hv, 10)
            tz = _bcast_lane(hv, 11)

            def rsq_body(j, carry):
                for u in range(4):
                    o = j * (4 * _L) + u * _L
                    rx = ref_v[pl.ds(tb + 0 * _NP + o, _L)]
                    ry = ref_v[pl.ds(tb + 1 * _NP + o, _L)]
                    rz = ref_v[pl.ds(tb + 2 * _NP + o, _L)]
                    rsq_v[pl.ds(o, _L)] = rx * rx + ry * ry + rz * rz
                return carry

            lax.fori_loop(0, _NRV // 4, rsq_body, 0)

            mx = mp_v[pl.ds(mb, _L)]
            my = mp_v[pl.ds(mb + _SS, _L)]
            mz = mp_v[pl.ds(mb + 2 * _SS, _L)]
            valid = lanes < jnp.int32(_QPW)
            tfx = r00 * mx + r01 * my + r02 * mz + tx
            tfy = r10 * mx + r11 * my + r12 * mz + ty
            tfz = r20 * mx + r21 * my + r22 * mz + tz
            n2x = jnp.float32(-2.0) * tfx
            n2y = jnp.float32(-2.0) * tfy
            n2z = jnp.float32(-2.0) * tfz
            qsq = tfx * tfx + tfy * tfy + tfz * tfz
            gx = _rot(ref_v[pl.ds(tb + 0 * _NP + qal, _L)], goff)
            gy = _rot(ref_v[pl.ds(tb + 1 * _NP + qal, _L)], goff)
            gz = _rot(ref_v[pl.ds(tb + 2 * _NP + qal, _L)], goff)
            dx = tfx - gx
            dy = tfy - gy
            dz = tfz - gz
            diag = jnp.where(valid, _sqrt16(dx * dx + dy * dy + dz * dz),
                             jnp.float32(0.0))

            minvec = jnp.full((_L,), _F32_BIG, jnp.float32)
            bxs = [_bcast_lane(n2x, q) for q in range(_QG)]
            bys = [_bcast_lane(n2y, q) for q in range(_QG)]
            bzs = [_bcast_lane(n2z, q) for q in range(_QG)]

            def nn_body(j, accs):
                o2 = j * (2 * _L)
                new = list(accs)
                for u in range(2):
                    oo = o2 + u * _L
                    rx = ref_v[pl.ds(tb + 0 * _NP + oo, _L)]
                    ry = ref_v[pl.ds(tb + 1 * _NP + oo, _L)]
                    rz = ref_v[pl.ds(tb + 2 * _NP + oo, _L)]
                    rq = rsq_v[pl.ds(oo, _L)]
                    for q in range(_QG):
                        d2 = rx * bxs[q] + ry * bys[q] + rz * bzs[q] + rq
                        new[q] = jnp.minimum(new[q], d2)
                return tuple(new)

            accs = lax.fori_loop(
                0, _NRV // 2, nn_body,
                tuple(jnp.full((_L,), _F32_BIG, jnp.float32)
                      for _ in range(_QG)))
            for q in range(_QG):
                m = jnp.min(accs[q])
                minvec = jnp.where(lanes == q, m, minvec)
            msum = jnp.where(valid, _sqrt16(minvec + qsq), jnp.float32(0.0))

            res = jnp.where(lanes == b, jnp.sum(msum), res)
            res = jnp.where(lanes == (b + _BS), jnp.sum(diag), res)
            return res

        res = lax.fori_loop(0, _BS, batch_body, jnp.zeros((_L,), jnp.float32))
        res_v[:] = res
        pltpu.sync_copy(res_v, out_hbm.at[wid])

    return sck


def _tc_body(tt_ref, mq_ref, tq_ref, m4_ref, out_ref):
    tt = tt_ref[0]
    mp3 = mq_ref[0]
    tq3 = tq_ref[0]
    m38 = m4_ref[0, :3, :]
    tvec = m4_ref[0, 3:4, :]
    tfa = jnp.dot(mp3, m38, preferred_element_type=jnp.float32) + tvec
    rsq = (tt[0:1, :] * tt[0:1, :] + tt[1:2, :] * tt[1:2, :]
           + tt[2:3, :] * tt[2:3, :])
    bt = jnp.concatenate(
        [jnp.float32(-2.0) * tt, rsq,
         jnp.zeros((4, _NP), jnp.float32)], axis=0)
    minv = jnp.full((_QTC,), _F32_BIG, jnp.float32)
    for rb in range(_NP // 512):
        btb = bt[:, rb * 512:(rb + 1) * 512]
        gb = lax.dot_general(tfa, btb, (((1,), (0,)), ((), ())),
                             preferred_element_type=jnp.float32)
        minv = jnp.minimum(minv, jnp.min(gb, axis=1))
    tf3 = tfa[:, :3]
    qsq = jnp.sum(tf3 * tf3, axis=1)
    dmin = jnp.sqrt(jnp.maximum(minv + qsq, jnp.float32(0.0)))
    dif = tf3 - tq3
    ddiag = jnp.sqrt(jnp.sum(dif * dif, axis=1))
    oii = lax.broadcasted_iota(jnp.int32, (1, 8, 128), 2)
    out_ref[...] = jnp.where(
        oii == 0, jnp.sum(dmin),
        jnp.where(oii == 1, jnp.sum(ddiag), jnp.float32(0.0)))


def _make_tc_kernel():
    return pl.pallas_call(
        _tc_body,
        grid=(_BS,),
        in_specs=[
            pl.BlockSpec((1, 3, _NP), lambda b: (b, 0, 0)),
            pl.BlockSpec((1, _QTC, 3), lambda b: (b, 0, 0)),
            pl.BlockSpec((1, _QTC, 3), lambda b: (b, 0, 0)),
            pl.BlockSpec((1, 4, 8), lambda b: (b, 0, 0)),
        ],
        out_specs=pl.BlockSpec((1, 8, 128), lambda b: (b, 0, 0)),
        out_shape=jax.ShapeDtypeStruct((_BS, 8, 128), jnp.float32),
    )


_SC_KERNEL = _make_sc_kernel()
_TC_KERNEL = _make_tc_kernel()


def kernel(target, model_points, idx, H):
    tt3 = jnp.transpose(target, (0, 2, 1))
    tt = tt3.reshape(_BS * 3 * _NP)
    msc = jnp.transpose(model_points[:, :_QSC, :], (0, 2, 1))
    msc = jnp.transpose(msc.reshape(_BS, 3, _NW, _QPW), (2, 0, 1, 3))
    msc = jnp.pad(msc, ((0, 0), (0, 0), (0, 0), (0, _SS - _QPW)))
    msc = msc.reshape(_NW, _BS * 3 * _SS)
    hf = H.reshape(_BS * _L)
    mq3 = model_points[:, _QSC:, :]
    tq3 = target[:, _QSC:, :]
    m48 = (jnp.zeros((_BS, 4, 8), jnp.float32)
           .at[:, :3, :3].set(jnp.transpose(H[:, :3, :3], (0, 2, 1)))
           .at[:, 3, :3].set(H[:, :3, 3])
           .at[:, 3, 3].set(1.0))
    tcout = _TC_KERNEL(tt3, mq3, tq3, m48)
    parts = _SC_KERNEL(tt, msc, hf)
    sums = jnp.sum(parts, axis=0)
    dmin = (sums[:_BS] + tcout[:, 0, 0]) / jnp.float32(_NP)
    ddiag = (sums[_BS:] + tcout[:, 0, 1]) / jnp.float32(_NP)
    sym = jnp.asarray(_SYM, dtype=idx.dtype)
    is_sym = jnp.any(idx[:, 0, None] == sym[None, :], axis=1)
    return jnp.where(is_sym, dmin, ddiag)

# --- scband reference (transcript-rebuilt; emitter-appended) ---
"""Pipeline reference for scband-add-sloss-85289460564354 (READ-ONLY COPY).

The authoritative reference and input builder live on the scoring server;
editing this copy changes nothing except your own understanding.
"""

import jax, jax.numpy as jnp
import numpy as np

SYM_LIST = (0, 2, 5, 8)
BS, NP = 8, 2048

def setup_inputs(seed: int = 0) -> dict:
    key = jax.random.key(seed)
    k1, k2, k3, k4 = jax.random.split(key, 4)
    target = jax.random.normal(k1, (BS, NP, 3), dtype=jnp.float32)
    model_points = jax.random.normal(k2, (BS, NP, 3), dtype=jnp.float32)
    idx = jax.random.randint(k3, (BS, 1), 0, 13, dtype=jnp.int32)
    H = jax.random.normal(k4, (BS, 4, 4), dtype=jnp.float32)
    return {"target": target, "model_points": model_points, "idx": idx, "H": H}

def reference(target, model_points, idx, H):
    bs = target.shape[0]
    # H path: base = R^T, pred_t = translation
    base = jnp.transpose(H[:, :3, :3], (0, 2, 1))
    pred_t = H[:, :3, 3][:, None, :]
    pred = jnp.matmul(model_points, base) + pred_t  # [BS, NP, 3]
    tf_model_points = pred.reshape(target.shape)
    sym_arr = jnp.asarray(SYM_LIST, dtype=idx.dtype)
    is_sym = jnp.any(idx[:, 0, None] == sym_arr[None, :], axis=1)  # [BS]
    new_targets = []
    for i in range(bs):
        ti = target[i]
        # knn(ref=target[i], query=tf_model_points[i]), k=1, smallest L2
        dist = jnp.linalg.norm(ti[None, :, :] - tf_model_points[i][:, None, :], axis=2)  # [query, ref]
        inds = jnp.argmin(dist, axis=1)
        ti = jnp.where(is_sym[i], ti[inds], ti)
        new_targets.append(ti)
    new_target = jnp.stack(new_targets, axis=0)
    dis = jnp.mean(jnp.linalg.norm(tf_model_points - new_target, axis=2), axis=1)
    return dis

if __name__ == "__main__":
    import jax
    _d = setup_inputs()
    print(jax.jit(kernel)(*tuple(_d.values())))

</pallas_src>

<mosaic_0001>
#map = affine_map<(d0, d1) -> (0)>
#map1 = affine_map<(d0, d1) -> (0, 0)>
module attributes {stable_mosaic.version = 14 : i64} {
  func.func @sck(%arg0: i32, %arg1: i32, %arg2: memref<49152xf32, #tpu.memory_space<hbm>>, %arg3: memref<32x192xf32, #tpu.memory_space<hbm>>, %arg4: memref<128xf32, #tpu.memory_space<hbm>>, %arg5: memref<32x16xf32, #tpu.memory_space<hbm>>, %arg6: memref<49152xf32, #tpu.memory_space<vmem>>, %arg7: memref<2048xf32, #tpu.memory_space<vmem>>, %arg8: memref<192xf32, #tpu.memory_space<vmem>>, %arg9: memref<128xf32, #tpu.memory_space<vmem>>, %arg10: memref<16xf32, #tpu.memory_space<vmem>>) attributes {dimension_semantics = [#tpu.dimension_semantics<core_parallel>, #tpu.dimension_semantics<subcore_parallel>], iteration_bounds = array<i64: 2, 16>, scalar_prefetch = 0 : i64, scratch_operands = 5 : i64, tpu.core_type = #tpu.core_type<sc_vector_subcore>, window_params = [{transform_indices = #map}, {transform_indices = #map1}, {transform_indices = #map}, {transform_indices = #map1}]} {
    %mul3A = arith.constant 2 : i32
    %mul3A_0 = arith.muli %arg1, %mul3A : i32
    %add3A = arith.addi %mul3A_0, %arg0 : i32
    %mul3A_1 = arith.constant 8 : i32
    %mul3A_2 = arith.muli %add3A, %mul3A_1 : i32
    %iota3A = tpu.iota {dimensions = array<i32: 0>} : vector<16xi32>
    %jit3A = arith.constant 8 : i32
    %eq3A = arith.constant 0 : i32
    %eq3A_3 = arith.cmpi eq, %jit3A, %eq3A : i32
    %jit3A_4 = arith.constant 1 : i32
    %select_n3A = arith.select %eq3A_3, %jit3A_4, %jit3A : i32
    %rem3A = arith.remsi %mul3A_2, %select_n3A : i32
    %ne3A = arith.constant 0 : i32
    %ne3A_5 = arith.cmpi ne, %rem3A, %ne3A : i32
    %lt3A = arith.constant 0 : i32
    %lt3A_6 = arith.cmpi slt, %rem3A, %lt3A : i32
    %lt3A_7 = arith.constant 0 : i32
    %lt3A_8 = arith.cmpi slt, %select_n3A, %lt3A_7 : i32
    %ne3A_9 = arith.xori %lt3A_6, %lt3A_8 : i1
    %and3A = arith.andi %ne3A_9, %ne3A_5 : i1
    %add3A_10 = arith.addi %rem3A, %select_n3A : i32
    %select_n3A_11 = arith.select %and3A, %add3A_10, %rem3A : i32
    %sub3A = arith.subi %mul3A_2, %select_n3A_11 : i32
    "tpu.region"() ({
      %run_scoped3A = tpu.sem_alloc : memref<!tpu.dma_semaphore, #tpu.memory_space<semaphore_mem>>
      tpu.enqueue_dma source(%arg2 : memref<49152xf32, #tpu.memory_space<hbm>>) target(%arg6 : memref<49152xf32, #tpu.memory_space<vmem>>) target_semaphore(%run_scoped3A : memref<!tpu.dma_semaphore, #tpu.memory_space<semaphore_mem>>)
      tpu.wait_dma2 semaphore(%run_scoped3A : memref<!tpu.dma_semaphore, #tpu.memory_space<semaphore_mem>>) src(%arg2 : memref<49152xf32, #tpu.memory_space<hbm>>) dst(%arg6 : memref<49152xf32, #tpu.memory_space<vmem>>)
      tpu.yield
    }) : () -> ()
    "tpu.region"() ({
      %run_scoped3A = tpu.sem_alloc : memref<!tpu.dma_semaphore, #tpu.memory_space<semaphore_mem>>
      %dma_start3A = arith.constant 0 : i32
      %dma_start3A_19 = tpu.memref_slice %arg3[%add3A, %dma_start3A] : memref<32x192xf32, #tpu.memory_space<hbm>> -> memref<1x192xf32, #tpu.memory_space<hbm>>
      %dma_start3A_20 = tpu.memref_squeeze %dma_start3A_19 : memref<1x192xf32, #tpu.memory_space<hbm>> -> memref<192xf32, #tpu.memory_space<hbm>>
      %dma_start3A_21 = arith.constant 0 : i32
      %dma_start3A_22 = tpu.memref_slice %arg3[%add3A, %dma_start3A_21] : memref<32x192xf32, #tpu.memory_space<hbm>> -> memref<1x192xf32, #tpu.memory_space<hbm>>
      %dma_start3A_23 = tpu.memref_squeeze %dma_start3A_22 : memref<1x192xf32, #tpu.memory_space<hbm>> -> memref<192xf32, #tpu.memory_space<hbm>>
      tpu.enqueue_dma source(%dma_start3A_23 : memref<192xf32, #tpu.memory_space<hbm>>) target(%arg8 : memref<192xf32, #tpu.memory_space<vmem>>) target_semaphore(%run_scoped3A : memref<!tpu.dma_semaphore, #tpu.memory_space<semaphore_mem>>)
      %dma_wait3A = arith.constant 0 : i32
      %dma_wait3A_24 = tpu.memref_slice %arg3[%add3A, %dma_wait3A] : memref<32x192xf32, #tpu.memory_space<hbm>> -> memref<1x192xf32, #tpu.memory_space<hbm>>
      %dma_wait3A_25 = tpu.memref_squeeze %dma_wait3A_24 : memref<1x192xf32, #tpu.memory_space<hbm>> -> memref<192xf32, #tpu.memory_space<hbm>>
      %dma_wait3A_26 = arith.constant 0 : i32
      %dma_wait3A_27 = tpu.memref_slice %arg3[%add3A, %dma_wait3A_26] : memref<32x192xf32, #tpu.memory_space<hbm>> -> memref<1x192xf32, #tpu.memory_space<hbm>>
      %dma_wait3A_28 = tpu.memref_squeeze %dma_wait3A_27 : memref<1x192xf32, #tpu.memory_space<hbm>> -> memref<192xf32, #tpu.memory_space<hbm>>
      tpu.wait_dma2 semaphore(%run_scoped3A : memref<!tpu.dma_semaphore, #tpu.memory_space<semaphore_mem>>) src(%dma_wait3A_28 : memref<192xf32, #tpu.memory_space<hbm>>) dst(%arg8 : memref<192xf32, #tpu.memory_space<vmem>>)
      tpu.yield
    }) : () -> ()
    "tpu.region"() ({
      %run_scoped3A = tpu.sem_alloc : memref<!tpu.dma_semaphore, #tpu.memory_space<semaphore_mem>>
      tpu.enqueue_dma source(%arg4 : memref<128xf32, #tpu.memory_space<hbm>>) target(%arg9 : memref<128xf32, #tpu.memory_space<vmem>>) target_semaphore(%run_scoped3A : memref<!tpu.dma_semaphore, #tpu.memory_space<semaphore_mem>>)
      tpu.wait_dma2 semaphore(%run_scoped3A : memref<!tpu.dma_semaphore, #tpu.memory_space<semaphore_mem>>) src(%arg4 : memref<128xf32, #tpu.memory_space<hbm>>) dst(%arg9 : memref<128xf32, #tpu.memory_space<vmem>>)
      tpu.yield
    }) : () -> ()
    %broadcast_in_dim3A = arith.constant 0.000000e+00 : f32
    %broadcast_in_dim3A_12 = vector.broadcast %broadcast_in_dim3A : f32 to vector<16xf32>
    %scan3A = arith.constant 0 : i32
    %scan3A_13 = arith.constant 8 : i32
    %scan3A_14 = arith.addi %scan3A, %scan3A_13 : i32
    %scan3A_15 = arith.constant 1 : i32
    %scan3A_16 = scf.for %scan3A_19 = %scan3A to %scan3A_14 step %scan3A_15 iter_args(%scan3A_20 = %broadcast_in_dim3A_12) -> (vector<16xf32>)  : i32 {
      %mul3A_21 = arith.constant 16 : i32
      %mul3A_22 = arith.muli %scan3A_19, %mul3A_21 : i32
      %get3A = arith.index_cast %mul3A_22 : i32 to index
      %get3A_23 = tpu.vector_load %arg9[%get3A] {strides = array<i32>} : memref<128xf32, #tpu.memory_space<vmem>>, vector<16xf32>,
      %mul3A_24 = arith.constant 6144 : i32
      %mul3A_25 = arith.muli %scan3A_19, %mul3A_24 : i32
      %mul3A_26 = arith.constant 24 : i32
      %mul3A_27 = arith.muli %scan3A_19, %mul3A_26 : i32
      %broadcast_in_dim3A_28 = arith.constant 0 : i32
      %broadcast_in_dim3A_29 = vector.broadcast %broadcast_in_dim3A_28 : i32 to vector<16x1xi32>
      %gather3A = vector.shape_cast %broadcast_in_dim3A_29 : vector<16x1xi32> to vector<16xi32>
      %gather3A_30 = tpu.dynamic_gather %get3A_23[%gather3A] in [0] : vector<16xf32>, vector<16xi32> -> vector<16xf32>
      %broadcast_in_dim3A_31 = arith.constant 1 : i32
      %broadcast_in_dim3A_32 = vector.broadcast %broadcast_in_dim3A_31 : i32 to vector<16x1xi32>
      %gather3A_33 = vector.shape_cast %broadcast_in_dim3A_32 : vector<16x1xi32> to vector<16xi32>
      %gather3A_34 = tpu.dynamic_gather %get3A_23[%gather3A_33] in [0] : vector<16xf32>, vector<16xi32> -> vector<16xf32>
      %broadcast_in_dim3A_35 = arith.constant 2 : i32
      %broadcast_in_dim3A_36 = vector.broadcast %broadcast_in_dim3A_35 : i32 to vector<16x1xi32>
      %gather3A_37 = vector.shape_cast %broadcast_in_dim3A_36 : vector<16x1xi32> to vector<16xi32>
      %gather3A_38 = tpu.dynamic_gather %get3A_23[%gather3A_37] in [0] : vector<16xf32>, vector<16xi32> -> vector<16xf32>
      %broadcast_in_dim3A_39 = arith.constant 3 : i32
      %broadcast_in_dim3A_40 = vector.broadcast %broadcast_in_dim3A_39 : i32 to vector<16x1xi32>
      %gather3A_41 = vector.shape_cast %broadcast_in_dim3A_40 : vector<16x1xi32> to vector<16xi32>
      %gather3A_42 = tpu.dynamic_gather %get3A_23[%gather3A_41] in [0] : vector<16xf32>, vector<16xi32> -> vector<16xf32>
      %broadcast_in_dim3A_43 = arith.constant 4 : i32
      %broadcast_in_dim3A_44 = vector.broadcast %broadcast_in_dim3A_43 : i32 to vector<16x1xi32>
      %gather3A_45 = vector.shape_cast %broadcast_in_dim3A_44 : vector<16x1xi32> to vector<16xi32>
      %gather3A_46 = tpu.dynamic_gather %get3A_23[%gather3A_45] in [0] : vector<16xf32>, vector<16xi32> -> vector<16xf32>
      %broadcast_in_dim3A_47 = arith.constant 5 : i32
      %broadcast_in_dim3A_48 = vector.broadcast %broadcast_in_dim3A_47 : i32 to vector<16x1xi32>
      %gather3A_49 = vector.shape_cast %broadcast_in_dim3A_48 : vector<16x1xi32> to vector<16xi32>
      %gather3A_50 = tpu.dynamic_gather %get3A_23[%gather3A_49] in [0] : vector<16xf32>, vector<16xi32> -> vector<16xf32>
      %broadcast_in_dim3A_51 = arith.constant 6 : i32
      %broadcast_in_dim3A_52 = vector.broadcast %broadcast_in_dim3A_51 : i32 to vector<16x1xi32>
      %gather3A_53 = vector.shape_cast %broadcast_in_dim3A_52 : vector<16x1xi32> to vector<16xi32>
      %gather3A_54 = tpu.dynamic_gather %get3A_23[%gather3A_53] in [0] : vector<16xf32>, vector<16xi32> -> vector<16xf32>
      %broadcast_in_dim3A_55 = arith.constant 7 : i32
      %broadcast_in_dim3A_56 = vector.broadcast %broadcast_in_dim3A_55 : i32 to vector<16x1xi32>
      %gather3A_57 = vector.shape_cast %broadcast_in_dim3A_56 : vector<16x1xi32> to vector<16xi32>
      %gather3A_58 = tpu.dynamic_gather %get3A_23[%gather3A_57] in [0] : vector<16xf32>, vector<16xi32> -> vector<16xf32>
      %broadcast_in_dim3A_59 = arith.constant 8 : i32
      %broadcast_in_dim3A_60 = vector.broadcast %broadcast_in_dim3A_59 : i32 to vector<16x1xi32>
      %gather3A_61 = vector.shape_cast %broadcast_in_dim3A_60 : vector<16x1xi32> to vector<16xi32>
      %gather3A_62 = tpu.dynamic_gather %get3A_23[%gather3A_61] in [0] : vector<16xf32>, vector<16xi32> -> vector<16xf32>
      %broadcast_in_dim3A_63 = arith.constant 9 : i32
      %broadcast_in_dim3A_64 = vector.broadcast %broadcast_in_dim3A_63 : i32 to vector<16x1xi32>
      %gather3A_65 = vector.shape_cast %broadcast_in_dim3A_64 : vector<16x1xi32> to vector<16xi32>
      %gather3A_66 = tpu.dynamic_gather %get3A_23[%gather3A_65] in [0] : vector<16xf32>, vector<16xi32> -> vector<16xf32>
      %broadcast_in_dim3A_67 = arith.constant 10 : i32
      %broadcast_in_dim3A_68 = vector.broadcast %broadcast_in_dim3A_67 : i32 to vector<16x1xi32>
      %gather3A_69 = vector.shape_cast %broadcast_in_dim3A_68 : vector<16x1xi32> to vector<16xi32>
      %gather3A_70 = tpu.dynamic_gather %get3A_23[%gather3A_69] in [0] : vector<16xf32>, vector<16xi32> -> vector<16xf32>
      %broadcast_in_dim3A_71 = arith.constant 11 : i32
      %broadcast_in_dim3A_72 = vector.broadcast %broadcast_in_dim3A_71 : i32 to vector<16x1xi32>
      %gather3A_73 = vector.shape_cast %broadcast_in_dim3A_72 : vector<16x1xi32> to vector<16xi32>
      %gather3A_74 = tpu.dynamic_gather %get3A_23[%gather3A_73] in [0] : vector<16xf32>, vector<16xi32> -> vector<16xf32>
      %scan3A_75 = arith.constant 0 : i32
      %scan3A_76 = arith.constant 0 : i32
      %scan3A_77 = arith.constant 32 : i32
      %scan3A_78 = arith.addi %scan3A_76, %scan3A_77 : i32
      %scan3A_79 = arith.constant 1 : i32
      scf.for %scan3A_460 = %scan3A_76 to %scan3A_78 step %scan3A_79  : i32 {
        %mul3A_461 = arith.constant 64 : i32
        %mul3A_462 = arith.muli %scan3A_460, %mul3A_461 : i32
        %add3A_463 = arith.constant 0 : i32
        %add3A_464 = arith.addi %mul3A_462, %add3A_463 : i32
        %add3A_465 = arith.constant 0 : i32
        %add3A_466 = arith.addi %mul3A_25, %add3A_465 : i32
        %add3A_467 = arith.addi %add3A_466, %add3A_464 : i32
        %get3A_468 = arith.index_cast %add3A_467 : i32 to index
        %get3A_469 = tpu.vector_load %arg6[%get3A_468] {strides = array<i32>} : memref<49152xf32, #tpu.memory_space<vmem>>, vector<16xf32>,
        %add3A_470 = arith.constant 2048 : i32
        %add3A_471 = arith.addi %mul3A_25, %add3A_470 : i32
        %add3A_472 = arith.addi %add3A_471, %add3A_464 : i32
        %get3A_473 = arith.index_cast %add3A_472 : i32 to index
        %get3A_474 = tpu.vector_load %arg6[%get3A_473] {strides = array<i32>} : memref<49152xf32, #tpu.memory_space<vmem>>, vector<16xf32>,
        %add3A_475 = arith.constant 4096 : i32
        %add3A_476 = arith.addi %mul3A_25, %add3A_475 : i32
        %add3A_477 = arith.addi %add3A_476, %add3A_464 : i32
        %get3A_478 = arith.index_cast %add3A_477 : i32 to index
        %get3A_479 = tpu.vector_load %arg6[%get3A_478] {strides = array<i32>} : memref<49152xf32, #tpu.memory_space<vmem>>, vector<16xf32>,
        %mul3A_480 = arith.mulf %get3A_469, %get3A_469 : vector<16xf32>
        %mul3A_481 = arith.mulf %get3A_474, %get3A_474 : vector<16xf32>
        %add3A_482 = arith.addf %mul3A_480, %mul3A_481 : vector<16xf32>
        %mul3A_483 = arith.mulf %get3A_479, %get3A_479 : vector<16xf32>
        %add3A_484 = arith.addf %add3A_482, %mul3A_483 : vector<16xf32>
        %swap3A_485 = arith.index_cast %add3A_464 : i32 to index
        %swap3A_486 = tpu.vector_load %arg7[%swap3A_485] {strides = array<i32>} : memref<2048xf32, #tpu.memory_space<vmem>>, vector<16xf32>,
        tpu.vector_store %arg7[%swap3A_485], %add3A_484 {strides = array<i32>} : memref<2048xf32, #tpu.memory_space<vmem>>, vector<16xf32>,
        %mul3A_487 = arith.constant 64 : i32
        %mul3A_488 = arith.muli %scan3A_460, %mul3A_487 : i32
        %add3A_489 = arith.constant 16 : i32
        %add3A_490 = arith.addi %mul3A_488, %add3A_489 : i32
        %add3A_491 = arith.constant 0 : i32
        %add3A_492 = arith.addi %mul3A_25, %add3A_491 : i32
        %add3A_493 = arith.addi %add3A_492, %add3A_490 : i32
        %get3A_494 = arith.index_cast %add3A_493 : i32 to index
        %get3A_495 = tpu.vector_load %arg6[%get3A_494] {strides = array<i32>} : memref<49152xf32, #tpu.memory_space<vmem>>, vector<16xf32>,
        %add3A_496 = arith.constant 2048 : i32
        %add3A_497 = arith.addi %mul3A_25, %add3A_496 : i32
        %add3A_498 = arith.addi %add3A_497, %add3A_490 : i32
        %get3A_499 = arith.index_cast %add3A_498 : i32 to index
        %get3A_500 = tpu.vector_load %arg6[%get3A_499] {strides = array<i32>} : memref<49152xf32, #tpu.memory_space<vmem>>, vector<16xf32>,
        %add3A_501 = arith.constant 4096 : i32
        %add3A_502 = arith.addi %mul3A_25, %add3A_501 : i32
        %add3A_503 = arith.addi %add3A_502, %add3A_490 : i32
        %get3A_504 = arith.index_cast %add3A_503 : i32 to index
        %get3A_505 = tpu.vector_load %arg6[%get3A_504] {strides = array<i32>} : memref<49152xf32, #tpu.memory_space<vmem>>, vector<16xf32>,
        %mul3A_506 = arith.mulf %get3A_495, %get3A_495 : vector<16xf32>
        %mul3A_507 = arith.mulf %get3A_500, %get3A_500 : vector<16xf32>
        %add3A_508 = arith.addf %mul3A_506, %mul3A_507 : vector<16xf32>
        %mul3A_509 = arith.mulf %get3A_505, %get3A_505 : vector<16xf32>
        %add3A_510 = arith.addf %add3A_508, %mul3A_509 : vector<16xf32>
        %swap3A_511 = arith.index_cast %add3A_490 : i32 to index
        %swap3A_512 = tpu.vector_load %arg7[%swap3A_511] {strides = array<i32>} : memref<2048xf32, #tpu.memory_space<vmem>>, vector<16xf32>,
        tpu.vector_store %arg7[%swap3A_511], %add3A_510 {strides = array<i32>} : memref<2048xf32, #tpu.memory_space<vmem>>, vector<16xf32>,
        %mul3A_513 = arith.constant 64 : i32
        %mul3A_514 = arith.muli %scan3A_460, %mul3A_513 : i32
        %add3A_515 = arith.constant 32 : i32
        %add3A_516 = arith.addi %mul3A_514, %add3A_515 : i32
        %add3A_517 = arith.constant 0 : i32
        %add3A_518 = arith.addi %mul3A_25, %add3A_517 : i32
        %add3A_519 = arith.addi %add3A_518, %add3A_516 : i32
        %get3A_520 = arith.index_cast %add3A_519 : i32 to index
        %get3A_521 = tpu.vector_load %arg6[%get3A_520] {strides = array<i32>} : memref<49152xf32, #tpu.memory_space<vmem>>, vector<16xf32>,
        %add3A_522 = arith.constant 2048 : i32
        %add3A_523 = arith.addi %mul3A_25, %add3A_522 : i32
        %add3A_524 = arith.addi %add3A_523, %add3A_516 : i32
        %get3A_525 = arith.index_cast %add3A_524 : i32 to index
        %get3A_526 = tpu.vector_load %arg6[%get3A_525] {strides = array<i32>} : memref<49152xf32, #tpu.memory_space<vmem>>, vector<16xf32>,
        %add3A_527 = arith.constant 4096 : i32
        %add3A_528 = arith.addi %mul3A_25, %add3A_527 : i32
        %add3A_529 = arith.addi %add3A_528, %add3A_516 : i32
        %get3A_530 = arith.index_cast %add3A_529 : i32 to index
        %get3A_531 = tpu.vector_load %arg6[%get3A_530] {strides = array<i32>} : memref<49152xf32, #tpu.memory_space<vmem>>, vector<16xf32>,
        %mul3A_532 = arith.mulf %get3A_521, %get3A_521 : vector<16xf32>
        %mul3A_533 = arith.mulf %get3A_526, %get3A_526 : vector<16xf32>
        %add3A_534 = arith.addf %mul3A_532, %mul3A_533 : vector<16xf32>
        %mul3A_535 = arith.mulf %get3A_531, %get3A_531 : vector<16xf32>
        %add3A_536 = arith.addf %add3A_534, %mul3A_535 : vector<16xf32>
        %swap3A_537 = arith.index_cast %add3A_516 : i32 to index
        %swap3A_538 = tpu.vector_load %arg7[%swap3A_537] {strides = array<i32>} : memref<2048xf32, #tpu.memory_space<vmem>>, vector<16xf32>,
        tpu.vector_store %arg7[%swap3A_537], %add3A_536 {strides = array<i32>} : memref<2048xf32, #tpu.memory_space<vmem>>, vector<16xf32>,
        %mul3A_539 = arith.constant 64 : i32
        %mul3A_540 = arith.muli %scan3A_460, %mul3A_539 : i32
        %add3A_541 = arith.constant 48 : i32
        %add3A_542 = arith.addi %mul3A_540, %add3A_541 : i32
        %add3A_543 = arith.constant 0 : i32
        %add3A_544 = arith.addi %mul3A_25, %add3A_543 : i32
        %add3A_545 = arith.addi %add3A_544, %add3A_542 : i32
        %get3A_546 = arith.index_cast %add3A_545 : i32 to index
        %get3A_547 = tpu.vector_load %arg6[%get3A_546] {strides = array<i32>} : memref<49152xf32, #tpu.memory_space<vmem>>, vector<16xf32>,
        %add3A_548 = arith.constant 2048 : i32
        %add3A_549 = arith.addi %mul3A_25, %add3A_548 : i32
        %add3A_550 = arith.addi %add3A_549, %add3A_542 : i32
        %get3A_551 = arith.index_cast %add3A_550 : i32 to index
        %get3A_552 = tpu.vector_load %arg6[%get3A_551] {strides = array<i32>} : memref<49152xf32, #tpu.memory_space<vmem>>, vector<16xf32>,
        %add3A_553 = arith.constant 4096 : i32
        %add3A_554 = arith.addi %mul3A_25, %add3A_553 : i32
        %add3A_555 = arith.addi %add3A_554, %add3A_542 : i32
        %get3A_556 = arith.index_cast %add3A_555 : i32 to index
        %get3A_557 = tpu.vector_load %arg6[%get3A_556] {strides = array<i32>} : memref<49152xf32, #tpu.memory_space<vmem>>, vector<16xf32>,
        %mul3A_558 = arith.mulf %get3A_547, %get3A_547 : vector<16xf32>
        %mul3A_559 = arith.mulf %get3A_552, %get3A_552 : vector<16xf32>
        %add3A_560 = arith.addf %mul3A_558, %mul3A_559 : vector<16xf32>
        %mul3A_561 = arith.mulf %get3A_557, %get3A_557 : vector<16xf32>
        %add3A_562 = arith.addf %add3A_560, %mul3A_561 : vector<16xf32>
        %swap3A_563 = arith.index_cast %add3A_542 : i32 to index
        %swap3A_564 = tpu.vector_load %arg7[%swap3A_563] {strides = array<i32>} : memref<2048xf32, #tpu.memory_space<vmem>>, vector<16xf32>,
        tpu.vector_store %arg7[%swap3A_563], %add3A_562 {strides = array<i32>} : memref<2048xf32, #tpu.memory_space<vmem>>, vector<16xf32>,
      }
      %scan3A_80 = arith.constant 32 : i32
      %get3A_81 = arith.index_cast %mul3A_27 : i32 to index
      %get3A_82 = tpu.vector_load %arg8[%get3A_81] {strides = array<i32>} : memref<192xf32, #tpu.memory_space<vmem>>, vector<16xf32>,
      %add3A_83 = arith.constant 8 : i32
      %add3A_84 = arith.addi %mul3A_27, %add3A_83 : i32
      %get3A_85 = arith.index_cast %add3A_84 : i32 to index
      %get3A_86 = tpu.vector_load %arg8[%get3A_85] {strides = array<i32>} : memref<192xf32, #tpu.memory_space<vmem>>, vector<16xf32>,
      %add3A_87 = arith.constant 16 : i32
      %add3A_88 = arith.addi %mul3A_27, %add3A_87 : i32
      %get3A_89 = arith.index_cast %add3A_88 : i32 to index
      %get3A_90 = tpu.vector_load %arg8[%get3A_89] {strides = array<i32>} : memref<192xf32, #tpu.memory_space<vmem>>, vector<16xf32>,
      %lt3A_91 = arith.constant 8 : i32
      %lt3A_92 = vector.broadcast %lt3A_91 : i32 to vector<16xi32>
      %lt3A_93 = arith.cmpi slt, %iota3A, %lt3A_92 : vector<16xi32>
      %mul3A_94 = arith.mulf %gather3A_30, %get3A_82 : vector<16xf32>
      %mul3A_95 = arith.mulf %gather3A_34, %get3A_86 : vector<16xf32>
      %add3A_96 = arith.addf %mul3A_94, %mul3A_95 : vector<16xf32>
      %mul3A_97 = arith.mulf %gather3A_38, %get3A_90 : vector<16xf32>
      %add3A_98 = arith.addf %add3A_96, %mul3A_97 : vector<16xf32>
      %add3A_99 = arith.addf %add3A_98, %gather3A_42 : vector<16xf32>
      %mul3A_100 = arith.mulf %gather3A_46, %get3A_82 : vector<16xf32>
      %mul3A_101 = arith.mulf %gather3A_50, %get3A_86 : vector<16xf32>
      %add3A_102 = arith.addf %mul3A_100, %mul3A_101 : vector<16xf32>
      %mul3A_103 = arith.mulf %gather3A_54, %get3A_90 : vector<16xf32>
      %add3A_104 = arith.addf %add3A_102, %mul3A_103 : vector<16xf32>
      %add3A_105 = arith.addf %add3A_104, %gather3A_58 : vector<16xf32>
      %mul3A_106 = arith.mulf %gather3A_62, %get3A_82 : vector<16xf32>
      %mul3A_107 = arith.mulf %gather3A_66, %get3A_86 : vector<16xf32>
      %add3A_108 = arith.addf %mul3A_106, %mul3A_107 : vector<16xf32>
      %mul3A_109 = arith.mulf %gather3A_70, %get3A_90 : vector<16xf32>
      %add3A_110 = arith.addf %add3A_108, %mul3A_109 : vector<16xf32>
      %add3A_111 = arith.addf %add3A_110, %gather3A_74 : vector<16xf32>
      %mul3A_112 = arith.constant -2.000000e+00 : f32
      %mul3A_113 = vector.broadcast %mul3A_112 : f32 to vector<16xf32>
      %mul3A_114 = arith.mulf %mul3A_113, %add3A_99 : vector<16xf32>
      %mul3A_115 = arith.constant -2.000000e+00 : f32
      %mul3A_116 = vector.broadcast %mul3A_115 : f32 to vector<16xf32>
      %mul3A_117 = arith.mulf %mul3A_116, %add3A_105 : vector<16xf32>
      %mul3A_118 = arith.constant -2.000000e+00 : f32
      %mul3A_119 = vector.broadcast %mul3A_118 : f32 to vector<16xf32>
      %mul3A_120 = arith.mulf %mul3A_119, %add3A_111 : vector<16xf32>
      %mul3A_121 = arith.mulf %add3A_99, %add3A_99 : vector<16xf32>
      %mul3A_122 = arith.mulf %add3A_105, %add3A_105 : vector<16xf32>
      %add3A_123 = arith.addf %mul3A_121, %mul3A_122 : vector<16xf32>
      %mul3A_124 = arith.mulf %add3A_111, %add3A_111 : vector<16xf32>
      %add3A_125 = arith.addf %add3A_123, %mul3A_124 : vector<16xf32>
      %add3A_126 = arith.constant 0 : i32
      %add3A_127 = arith.addi %mul3A_25, %add3A_126 : i32
      %add3A_128 = arith.addi %add3A_127, %sub3A : i32
      %get3A_129 = arith.index_cast %add3A_128 : i32 to index
      %get3A_130 = tpu.vector_load %arg6[%get3A_129] {strides = array<i32>} : memref<49152xf32, #tpu.memory_space<vmem>>, vector<16xf32>,
      %iota3A_131 = tpu.iota {dimensions = array<i32: 0>} : vector<16xi32>
      %add3A_132 = vector.broadcast %select_n3A_11 : i32 to vector<16xi32>
      %add3A_133 = arith.addi %iota3A_131, %add3A_132 : vector<16xi32>
      %and3A_134 = arith.constant 15 : i32
      %and3A_135 = vector.broadcast %and3A_134 : i32 to vector<16xi32>
      %and3A_136 = arith.andi %add3A_133, %and3A_135 : vector<16xi32>
      %broadcast_in_dim3A_137 = vector.shape_cast %and3A_136 : vector<16xi32> to vector<16x1xi32>
      %gather3A_138 = vector.shape_cast %broadcast_in_dim3A_137 : vector<16x1xi32> to vector<16xi32>
      %gather3A_139 = tpu.dynamic_gather %get3A_130[%gather3A_138] in [0] : vector<16xf32>, vector<16xi32> -> vector<16xf32>
      %add3A_140 = arith.constant 2048 : i32
      %add3A_141 = arith.addi %mul3A_25, %add3A_140 : i32
      %add3A_142 = arith.addi %add3A_141, %sub3A : i32
      %get3A_143 = arith.index_cast %add3A_142 : i32 to index
      %get3A_144 = tpu.vector_load %arg6[%get3A_143] {strides = array<i32>} : memref<49152xf32, #tpu.memory_space<vmem>>, vector<16xf32>,
      %iota3A_145 = tpu.iota {dimensions = array<i32: 0>} : vector<16xi32>
      %add3A_146 = vector.broadcast %select_n3A_11 : i32 to vector<16xi32>
      %add3A_147 = arith.addi %iota3A_145, %add3A_146 : vector<16xi32>
      %and3A_148 = arith.constant 15 : i32
      %and3A_149 = vector.broadcast %and3A_148 : i32 to vector<16xi32>
      %and3A_150 = arith.andi %add3A_147, %and3A_149 : vector<16xi32>
      %broadcast_in_dim3A_151 = vector.shape_cast %and3A_150 : vector<16xi32> to vector<16x1xi32>
      %gather3A_152 = vector.shape_cast %broadcast_in_dim3A_151 : vector<16x1xi32> to vector<16xi32>
      %gather3A_153 = tpu.dynamic_gather %get3A_144[%gather3A_152] in [0] : vector<16xf32>, vector<16xi32> -> vector<16xf32>
      %add3A_154 = arith.constant 4096 : i32
      %add3A_155 = arith.addi %mul3A_25, %add3A_154 : i32
      %add3A_156 = arith.addi %add3A_155, %sub3A : i32
      %get3A_157 = arith.index_cast %add3A_156 : i32 to index
      %get3A_158 = tpu.vector_load %arg6[%get3A_157] {strides = array<i32>} : memref<49152xf32, #tpu.memory_space<vmem>>, vector<16xf32>,
      %iota3A_159 = tpu.iota {dimensions = array<i32: 0>} : vector<16xi32>
      %add3A_160 = vector.broadcast %select_n3A_11 : i32 to vector<16xi32>
      %add3A_161 = arith.addi %iota3A_159, %add3A_160 : vector<16xi32>
      %and3A_162 = arith.constant 15 : i32
      %and3A_163 = vector.broadcast %and3A_162 : i32 to vector<16xi32>
      %and3A_164 = arith.andi %add3A_161, %and3A_163 : vector<16xi32>
      %broadcast_in_dim3A_165 = vector.shape_cast %and3A_164 : vector<16xi32> to vector<16x1xi32>
      %gather3A_166 = vector.shape_cast %broadcast_in_dim3A_165 : vector<16x1xi32> to vector<16xi32>
      %gather3A_167 = tpu.dynamic_gather %get3A_158[%gather3A_166] in [0] : vector<16xf32>, vector<16xi32> -> vector<16xf32>
      %sub3A_168 = arith.subf %add3A_99, %gather3A_139 : vector<16xf32>
      %sub3A_169 = arith.subf %add3A_105, %gather3A_153 : vector<16xf32>
      %sub3A_170 = arith.subf %add3A_111, %gather3A_167 : vector<16xf32>
      %mul3A_171 = arith.mulf %sub3A_168, %sub3A_168 : vector<16xf32>
      %mul3A_172 = arith.mulf %sub3A_169, %sub3A_169 : vector<16xf32>
      %add3A_173 = arith.addf %mul3A_171, %mul3A_172 : vector<16xf32>
      %mul3A_174 = arith.mulf %sub3A_170, %sub3A_170 : vector<16xf32>
      %add3A_175 = arith.addf %add3A_173, %mul3A_174 : vector<16xf32>
      %max3A = arith.constant 1.000000e-30 : f32
      %max3A_176 = vector.broadcast %max3A : f32 to vector<16xf32>
      %max3A_177 = arith.maximumf %add3A_175, %max3A_176 : vector<16xf32>
      %bitcast_convert_type3A = tpu.bitcast %max3A_177 : vector<16xf32> -> vector<16xi32>
      %shift_right_arithmetic3A = arith.constant 1 : i32
      %shift_right_arithmetic3A_178 = vector.broadcast %shift_right_arithmetic3A : i32 to vector<16xi32>
      %shift_right_arithmetic3A_179 = arith.shrsi %bitcast_convert_type3A, %shift_right_arithmetic3A_178 : vector<16xi32>
      %sub3A_180 = arith.constant 1597463007 : i32
      %sub3A_181 = vector.broadcast %sub3A_180 : i32 to vector<16xi32>
      %sub3A_182 = arith.subi %sub3A_181, %shift_right_arithmetic3A_179 : vector<16xi32>
      %bitcast_convert_type3A_183 = tpu.bitcast %sub3A_182 : vector<16xi32> -> vector<16xf32>
      %mul3A_184 = arith.constant 5.000000e-01 : f32
      %mul3A_185 = vector.broadcast %mul3A_184 : f32 to vector<16xf32>
      %mul3A_186 = arith.mulf %mul3A_185, %max3A_177 : vector<16xf32>
      %mul3A_187 = arith.mulf %mul3A_186, %bitcast_convert_type3A_183 : vector<16xf32>
      %mul3A_188 = arith.mulf %mul3A_187, %bitcast_convert_type3A_183 : vector<16xf32>
      %sub3A_189 = arith.constant 1.500000e+00 : f32
      %sub3A_190 = vector.broadcast %sub3A_189 : f32 to vector<16xf32>
      %sub3A_191 = arith.subf %sub3A_190, %mul3A_188 : vector<16xf32>
      %mul3A_192 = arith.mulf %bitcast_convert_type3A_183, %sub3A_191 : vector<16xf32>
      %mul3A_193 = arith.mulf %mul3A_186, %mul3A_192 : vector<16xf32>
      %mul3A_194 = arith.mulf %mul3A_193, %mul3A_192 : vector<16xf32>
      %sub3A_195 = arith.constant 1.500000e+00 : f32
      %sub3A_196 = vector.broadcast %sub3A_195 : f32 to vector<16xf32>
      %sub3A_197 = arith.subf %sub3A_196, %mul3A_194 : vector<16xf32>
      %mul3A_198 = arith.mulf %mul3A_192, %sub3A_197 : vector<16xf32>
      %mul3A_199 = arith.mulf %mul3A_186, %mul3A_198 : vector<16xf32>
      %mul3A_200 = arith.mulf %mul3A_199, %mul3A_198 : vector<16xf32>
      %sub3A_201 = arith.constant 1.500000e+00 : f32
      %sub3A_202 = vector.broadcast %sub3A_201 : f32 to vector<16xf32>
      %sub3A_203 = arith.subf %sub3A_202, %mul3A_200 : vector<16xf32>
      %mul3A_204 = arith.mulf %mul3A_198, %sub3A_203 : vector<16xf32>
      %max3A_205 = arith.constant 0.000000e+00 : f32
      %max3A_206 = vector.broadcast %max3A_205 : f32 to vector<16xf32>
      %max3A_207 = arith.maximumf %add3A_175, %max3A_206 : vector<16xf32>
      %mul3A_208 = arith.mulf %max3A_207, %mul3A_204 : vector<16xf32>
      %jit3A_209 = arith.constant 0.000000e+00 : f32
      %broadcast_in_dim3A_210 = vector.broadcast %jit3A_209 : f32 to vector<16xf32>
      %select_n3A_211 = arith.select %lt3A_93, %mul3A_208, %broadcast_in_dim3A_210 : vector<16xi1>, vector<16xf32>
      %broadcast_in_dim3A_212 = arith.constant 3.000000e+38 : f32
      %broadcast_in_dim3A_213 = vector.broadcast %broadcast_in_dim3A_212 : f32 to vector<16xf32>
      %broadcast_in_dim3A_214 = arith.constant 0 : i32
      %broadcast_in_dim3A_215 = vector.broadcast %broadcast_in_dim3A_214 : i32 to vector<16x1xi32>
      %gather3A_216 = vector.shape_cast %broadcast_in_dim3A_215 : vector<16x1xi32> to vector<16xi32>
      %gather3A_217 = tpu.dynamic_gather %mul3A_114[%gather3A_216] in [0] : vector<16xf32>, vector<16xi32> -> vector<16xf32>
      %broadcast_in_dim3A_218 = arith.constant 1 : i32
      %broadcast_in_dim3A_219 = vector.broadcast %broadcast_in_dim3A_218 : i32 to vector<16x1xi32>
      %gather3A_220 = vector.shape_cast %broadcast_in_dim3A_219 : vector<16x1xi32> to vector<16xi32>
      %gather3A_221 = tpu.dynamic_gather %mul3A_114[%gather3A_220] in [0] : vector<16xf32>, vector<16xi32> -> vector<16xf32>
      %broadcast_in_dim3A_222 = arith.constant 2 : i32
      %broadcast_in_dim3A_223 = vector.broadcast %broadcast_in_dim3A_222 : i32 to vector<16x1xi32>
      %gather3A_224 = vector.shape_cast %broadcast_in_dim3A_223 : vector<16x1xi32> to vector<16xi32>
      %gather3A_225 = tpu.dynamic_gather %mul3A_114[%gather3A_224] in [0] : vector<16xf32>, vector<16xi32> -> vector<16xf32>
      %broadcast_in_dim3A_226 = arith.constant 3 : i32
      %broadcast_in_dim3A_227 = vector.broadcast %broadcast_in_dim3A_226 : i32 to vector<16x1xi32>
      %gather3A_228 = vector.shape_cast %broadcast_in_dim3A_227 : vector<16x1xi32> to vector<16xi32>
      %gather3A_229 = tpu.dynamic_gather %mul3A_114[%gather3A_228] in [0] : vector<16xf32>, vector<16xi32> -> vector<16xf32>
      %broadcast_in_dim3A_230 = arith.constant 4 : i32
      %broadcast_in_dim3A_231 = vector.broadcast %broadcast_in_dim3A_230 : i32 to vector<16x1xi32>
      %gather3A_232 = vector.shape_cast %broadcast_in_dim3A_231 : vector<16x1xi32> to vector<16xi32>
      %gather3A_233 = tpu.dynamic_gather %mul3A_114[%gather3A_232] in [0] : vector<16xf32>, vector<16xi32> -> vector<16xf32>
      %broadcast_in_dim3A_234 = arith.constant 5 : i32
      %broadcast_in_dim3A_235 = vector.broadcast %broadcast_in_dim3A_234 : i32 to vector<16x1xi32>
      %gather3A_236 = vector.shape_cast %broadcast_in_dim3A_235 : vector<16x1xi32> to vector<16xi32>
      %gather3A_237 = tpu.dynamic_gather %mul3A_114[%gather3A_236] in [0] : vector<16xf32>, vector<16xi32> -> vector<16xf32>
      %broadcast_in_dim3A_238 = arith.constant 6 : i32
      %broadcast_in_dim3A_239 = vector.broadcast %broadcast_in_dim3A_238 : i32 to vector<16x1xi32>
      %gather3A_240 = vector.shape_cast %broadcast_in_dim3A_239 : vector<16x1xi32> to vector<16xi32>
      %gather3A_241 = tpu.dynamic_gather %mul3A_114[%gather3A_240] in [0] : vector<16xf32>, vector<16xi32> -> vector<16xf32>
      %broadcast_in_dim3A_242 = arith.constant 7 : i32
      %broadcast_in_dim3A_243 = vector.broadcast %broadcast_in_dim3A_242 : i32 to vector<16x1xi32>
      %gather3A_244 = vector.shape_cast %broadcast_in_dim3A_243 : vector<16x1xi32> to vector<16xi32>
      %gather3A_245 = tpu.dynamic_gather %mul3A_114[%gather3A_244] in [0] : vector<16xf32>, vector<16xi32> -> vector<16xf32>
      %broadcast_in_dim3A_246 = arith.constant 0 : i32
      %broadcast_in_dim3A_247 = vector.broadcast %broadcast_in_dim3A_246 : i32 to vector<16x1xi32>
      %gather3A_248 = vector.shape_cast %broadcast_in_dim3A_247 : vector<16x1xi32> to vector<16xi32>
      %gather3A_249 = tpu.dynamic_gather %mul3A_117[%gather3A_248] in [0] : vector<16xf32>, vector<16xi32> -> vector<16xf32>
      %broadcast_in_dim3A_250 = arith.constant 1 : i32
      %broadcast_in_dim3A_251 = vector.broadcast %broadcast_in_dim3A_250 : i32 to vector<16x1xi32>
      %gather3A_252 = vector.shape_cast %broadcast_in_dim3A_251 : vector<16x1xi32> to vector<16xi32>
      %gather3A_253 = tpu.dynamic_gather %mul3A_117[%gather3A_252] in [0] : vector<16xf32>, vector<16xi32> -> vector<16xf32>
      %broadcast_in_dim3A_254 = arith.constant 2 : i32
      %broadcast_in_dim3A_255 = vector.broadcast %broadcast_in_dim3A_254 : i32 to vector<16x1xi32>
      %gather3A_256 = vector.shape_cast %broadcast_in_dim3A_255 : vector<16x1xi32> to vector<16xi32>
      %gather3A_257 = tpu.dynamic_gather %mul3A_117[%gather3A_256] in [0] : vector<16xf32>, vector<16xi32> -> vector<16xf32>
      %broadcast_in_dim3A_258 = arith.constant 3 : i32
      %broadcast_in_dim3A_259 = vector.broadcast %broadcast_in_dim3A_258 : i32 to vector<16x1xi32>
      %gather3A_260 = vector.shape_cast %broadcast_in_dim3A_259 : vector<16x1xi32> to vector<16xi32>
      %gather3A_261 = tpu.dynamic_gather %mul3A_117[%gather3A_260] in [0] : vector<16xf32>, vector<16xi32> -> vector<16xf32>
      %broadcast_in_dim3A_262 = arith.constant 4 : i32
      %broadcast_in_dim3A_263 = vector.broadcast %broadcast_in_dim3A_262 : i32 to vector<16x1xi32>
      %gather3A_264 = vector.shape_cast %broadcast_in_dim3A_263 : vector<16x1xi32> to vector<16xi32>
      %gather3A_265 = tpu.dynamic_gather %mul3A_117[%gather3A_264] in [0] : vector<16xf32>, vector<16xi32> -> vector<16xf32>
      %broadcast_in_dim3A_266 = arith.constant 5 : i32
      %broadcast_in_dim3A_267 = vector.broadcast %broadcast_in_dim3A_266 : i32 to vector<16x1xi32>
      %gather3A_268 = vector.shape_cast %broadcast_in_dim3A_267 : vector<16x1xi32> to vector<16xi32>
      %gather3A_269 = tpu.dynamic_gather %mul3A_117[%gather3A_268] in [0] : vector<16xf32>, vector<16xi32> -> vector<16xf32>
      %broadcast_in_dim3A_270 = arith.constant 6 : i32
      %broadcast_in_dim3A_271 = vector.broadcast %broadcast_in_dim3A_270 : i32 to vector<16x1xi32>
      %gather3A_272 = vector.shape_cast %broadcast_in_dim3A_271 : vector<16x1xi32> to vector<16xi32>
      %gather3A_273 = tpu.dynamic_gather %mul3A_117[%gather3A_272] in [0] : vector<16xf32>, vector<16xi32> -> vector<16xf32>
      %broadcast_in_dim3A_274 = arith.constant 7 : i32
      %broadcast_in_dim3A_275 = vector.broadcast %broadcast_in_dim3A_274 : i32 to vector<16x1xi32>
      %gather3A_276 = vector.shape_cast %broadcast_in_dim3A_275 : vector<16x1xi32> to vector<16xi32>
      %gather3A_277 = tpu.dynamic_gather %mul3A_117[%gather3A_276] in [0] : vector<16xf32>, vector<16xi32> -> vector<16xf32>
      %broadcast_in_dim3A_278 = arith.constant 0 : i32
      %broadcast_in_dim3A_279 = vector.broadcast %broadcast_in_dim3A_278 : i32 to vector<16x1xi32>
      %gather3A_280 = vector.shape_cast %broadcast_in_dim3A_279 : vector<16x1xi32> to vector<16xi32>
      %gather3A_281 = tpu.dynamic_gather %mul3A_120[%gather3A_280] in [0] : vector<16xf32>, vector<16xi32> -> vector<16xf32>
      %broadcast_in_dim3A_282 = arith.constant 1 : i32
      %broadcast_in_dim3A_283 = vector.broadcast %broadcast_in_dim3A_282 : i32 to vector<16x1xi32>
      %gather3A_284 = vector.shape_cast %broadcast_in_dim3A_283 : vector<16x1xi32> to vector<16xi32>
      %gather3A_285 = tpu.dynamic_gather %mul3A_120[%gather3A_284] in [0] : vector<16xf32>, vector<16xi32> -> vector<16xf32>
      %broadcast_in_dim3A_286 = arith.constant 2 : i32
      %broadcast_in_dim3A_287 = vector.broadcast %broadcast_in_dim3A_286 : i32 to vector<16x1xi32>
      %gather3A_288 = vector.shape_cast %broadcast_in_dim3A_287 : vector<16x1xi32> to vector<16xi32>
      %gather3A_289 = tpu.dynamic_gather %mul3A_120[%gather3A_288] in [0] : vector<16xf32>, vector<16xi32> -> vector<16xf32>
      %broadcast_in_dim3A_290 = arith.constant 3 : i32
      %broadcast_in_dim3A_291 = vector.broadcast %broadcast_in_dim3A_290 : i32 to vector<16x1xi32>
      %gather3A_292 = vector.shape_cast %broadcast_in_dim3A_291 : vector<16x1xi32> to vector<16xi32>
      %gather3A_293 = tpu.dynamic_gather %mul3A_120[%gather3A_292] in [0] : vector<16xf32>, vector<16xi32> -> vector<16xf32>
      %broadcast_in_dim3A_294 = arith.constant 4 : i32
      %broadcast_in_dim3A_295 = vector.broadcast %broadcast_in_dim3A_294 : i32 to vector<16x1xi32>
      %gather3A_296 = vector.shape_cast %broadcast_in_dim3A_295 : vector<16x1xi32> to vector<16xi32>
      %gather3A_297 = tpu.dynamic_gather %mul3A_120[%gather3A_296] in [0] : vector<16xf32>, vector<16xi32> -> vector<16xf32>
      %broadcast_in_dim3A_298 = arith.constant 5 : i32
      %broadcast_in_dim3A_299 = vector.broadcast %broadcast_in_dim3A_298 : i32 to vector<16x1xi32>
      %gather3A_300 = vector.shape_cast %broadcast_in_dim3A_299 : vector<16x1xi32> to vector<16xi32>
      %gather3A_301 = tpu.dynamic_gather %mul3A_120[%gather3A_300] in [0] : vector<16xf32>, vector<16xi32> -> vector<16xf32>
      %broadcast_in_dim3A_302 = arith.constant 6 : i32
      %broadcast_in_dim3A_303 = vector.broadcast %broadcast_in_dim3A_302 : i32 to vector<16x1xi32>
      %gather3A_304 = vector.shape_cast %broadcast_in_dim3A_303 : vector<16x1xi32> to vector<16xi32>
      %gather3A_305 = tpu.dynamic_gather %mul3A_120[%gather3A_304] in [0] : vector<16xf32>, vector<16xi32> -> vector<16xf32>
      %broadcast_in_dim3A_306 = arith.constant 7 : i32
      %broadcast_in_dim3A_307 = vector.broadcast %broadcast_in_dim3A_306 : i32 to vector<16x1xi32>
      %gather3A_308 = vector.shape_cast %broadcast_in_dim3A_307 : vector<16x1xi32> to vector<16xi32>
      %gather3A_309 = tpu.dynamic_gather %mul3A_120[%gather3A_308] in [0] : vector<16xf32>, vector<16xi32> -> vector<16xf32>
      %broadcast_in_dim3A_310 = arith.constant 3.000000e+38 : f32
      %broadcast_in_dim3A_311 = vector.broadcast %broadcast_in_dim3A_310 : f32 to vector<16xf32>
      %broadcast_in_dim3A_312 = arith.constant 3.000000e+38 : f32
      %broadcast_in_dim3A_313 = vector.broadcast %broadcast_in_dim3A_312 : f32 to vector<16xf32>
      %broadcast_in_dim3A_314 = arith.constant 3.000000e+38 : f32
      %broadcast_in_dim3A_315 = vector.broadcast %broadcast_in_dim3A_314 : f32 to vector<16xf32>
      %broadcast_in_dim3A_316 = arith.constant 3.000000e+38 : f32
      %broadcast_in_dim3A_317 = vector.broadcast %broadcast_in_dim3A_316 : f32 to vector<16xf32>
      %broadcast_in_dim3A_318 = arith.constant 3.000000e+38 : f32
      %broadcast_in_dim3A_319 = vector.broadcast %broadcast_in_dim3A_318 : f32 to vector<16xf32>
      %broadcast_in_dim3A_320 = arith.constant 3.000000e+38 : f32
      %broadcast_in_dim3A_321 = vector.broadcast %broadcast_in_dim3A_320 : f32 to vector<16xf32>
      %broadcast_in_dim3A_322 = arith.constant 3.000000e+38 : f32
      %broadcast_in_dim3A_323 = vector.broadcast %broadcast_in_dim3A_322 : f32 to vector<16xf32>
      %broadcast_in_dim3A_324 = arith.constant 3.000000e+38 : f32
      %broadcast_in_dim3A_325 = vector.broadcast %broadcast_in_dim3A_324 : f32 to vector<16xf32>
      %scan3A_326 = arith.constant 0 : i32
      %scan3A_327 = arith.constant 64 : i32
      %scan3A_328 = arith.addi %scan3A_326, %scan3A_327 : i32
      %scan3A_329 = arith.constant 1 : i32
      %scan3A_330:8 = scf.for %scan3A_460 = %scan3A_326 to %scan3A_328 step %scan3A_329 iter_args(%scan3A_461 = %broadcast_in_dim3A_311, %scan3A_462 = %broadcast_in_dim3A_313, %scan3A_463 = %broadcast_in_dim3A_315, %scan3A_464 = %broadcast_in_dim3A_317, %scan3A_465 = %broadcast_in_dim3A_319, %scan3A_466 = %broadcast_in_dim3A_321, %scan3A_467 = %broadcast_in_dim3A_323, %scan3A_468 = %broadcast_in_dim3A_325) -> (vector<16xf32>, vector<16xf32>, vector<16xf32>, vector<16xf32>, vector<16xf32>, vector<16xf32>, vector<16xf32>, vector<16xf32>)  : i32 {
        %mul3A_469 = arith.constant 32 : i32
        %mul3A_470 = arith.muli %scan3A_460, %mul3A_469 : i32
        %add3A_471 = arith.constant 0 : i32
        %add3A_472 = arith.addi %mul3A_470, %add3A_471 : i32
        %add3A_473 = arith.constant 0 : i32
        %add3A_474 = arith.addi %mul3A_25, %add3A_473 : i32
        %add3A_475 = arith.addi %add3A_474, %add3A_472 : i32
        %get3A_476 = arith.index_cast %add3A_475 : i32 to index
        %get3A_477 = tpu.vector_load %arg6[%get3A_476] {strides = array<i32>} : memref<49152xf32, #tpu.memory_space<vmem>>, vector<16xf32>,
        %add3A_478 = arith.constant 2048 : i32
        %add3A_479 = arith.addi %mul3A_25, %add3A_478 : i32
        %add3A_480 = arith.addi %add3A_479, %add3A_472 : i32
        %get3A_481 = arith.index_cast %add3A_480 : i32 to index
        %get3A_482 = tpu.vector_load %arg6[%get3A_481] {strides = array<i32>} : memref<49152xf32, #tpu.memory_space<vmem>>, vector<16xf32>,
        %add3A_483 = arith.constant 4096 : i32
        %add3A_484 = arith.addi %mul3A_25, %add3A_483 : i32
        %add3A_485 = arith.addi %add3A_484, %add3A_472 : i32
        %get3A_486 = arith.index_cast %add3A_485 : i32 to index
        %get3A_487 = tpu.vector_load %arg6[%get3A_486] {strides = array<i32>} : memref<49152xf32, #tpu.memory_space<vmem>>, vector<16xf32>,
        %get3A_488 = arith.index_cast %add3A_472 : i32 to index
        %get3A_489 = tpu.vector_load %arg7[%get3A_488] {strides = array<i32>} : memref<2048xf32, #tpu.memory_space<vmem>>, vector<16xf32>,
        %mul3A_490 = arith.mulf %get3A_477, %gather3A_217 : vector<16xf32>
        %mul3A_491 = arith.mulf %get3A_482, %gather3A_249 : vector<16xf32>
        %add3A_492 = arith.addf %mul3A_490, %mul3A_491 : vector<16xf32>
        %mul3A_493 = arith.mulf %get3A_487, %gather3A_281 : vector<16xf32>
        %add3A_494 = arith.addf %add3A_492, %mul3A_493 : vector<16xf32>
        %add3A_495 = arith.addf %add3A_494, %get3A_489 : vector<16xf32>
        %min3A = arith.minimumf %scan3A_461, %add3A_495 : vector<16xf32>
        %mul3A_496 = arith.mulf %get3A_477, %gather3A_221 : vector<16xf32>
        %mul3A_497 = arith.mulf %get3A_482, %gather3A_253 : vector<16xf32>
        %add3A_498 = arith.addf %mul3A_496, %mul3A_497 : vector<16xf32>
        %mul3A_499 = arith.mulf %get3A_487, %gather3A_285 : vector<16xf32>
        %add3A_500 = arith.addf %add3A_498, %mul3A_499 : vector<16xf32>
        %add3A_501 = arith.addf %add3A_500, %get3A_489 : vector<16xf32>
        %min3A_502 = arith.minimumf %scan3A_462, %add3A_501 : vector<16xf32>
        %mul3A_503 = arith.mulf %get3A_477, %gather3A_225 : vector<16xf32>
        %mul3A_504 = arith.mulf %get3A_482, %gather3A_257 : vector<16xf32>
        %add3A_505 = arith.addf %mul3A_503, %mul3A_504 : vector<16xf32>
        %mul3A_506 = arith.mulf %get3A_487, %gather3A_289 : vector<16xf32>
        %add3A_507 = arith.addf %add3A_505, %mul3A_506 : vector<16xf32>
        %add3A_508 = arith.addf %add3A_507, %get3A_489 : vector<16xf32>
        %min3A_509 = arith.minimumf %scan3A_463, %add3A_508 : vector<16xf32>
        %mul3A_510 = arith.mulf %get3A_477, %gather3A_229 : vector<16xf32>
        %mul3A_511 = arith.mulf %get3A_482, %gather3A_261 : vector<16xf32>
        %add3A_512 = arith.addf %mul3A_510, %mul3A_511 : vector<16xf32>
        %mul3A_513 = arith.mulf %get3A_487, %gather3A_293 : vector<16xf32>
        %add3A_514 = arith.addf %add3A_512, %mul3A_513 : vector<16xf32>
        %add3A_515 = arith.addf %add3A_514, %get3A_489 : vector<16xf32>
        %min3A_516 = arith.minimumf %scan3A_464, %add3A_515 : vector<16xf32>
        %mul3A_517 = arith.mulf %get3A_477, %gather3A_233 : vector<16xf32>
        %mul3A_518 = arith.mulf %get3A_482, %gather3A_265 : vector<16xf32>
        %add3A_519 = arith.addf %mul3A_517, %mul3A_518 : vector<16xf32>
        %mul3A_520 = arith.mulf %get3A_487, %gather3A_297 : vector<16xf32>
        %add3A_521 = arith.addf %add3A_519, %mul3A_520 : vector<16xf32>
        %add3A_522 = arith.addf %add3A_521, %get3A_489 : vector<16xf32>
        %min3A_523 = arith.minimumf %scan3A_465, %add3A_522 : vector<16xf32>
        %mul3A_524 = arith.mulf %get3A_477, %gather3A_237 : vector<16xf32>
        %mul3A_525 = arith.mulf %get3A_482, %gather3A_269 : vector<16xf32>
        %add3A_526 = arith.addf %mul3A_524, %mul3A_525 : vector<16xf32>
        %mul3A_527 = arith.mulf %get3A_487, %gather3A_301 : vector<16xf32>
        %add3A_528 = arith.addf %add3A_526, %mul3A_527 : vector<16xf32>
        %add3A_529 = arith.addf %add3A_528, %get3A_489 : vector<16xf32>
        %min3A_530 = arith.minimumf %scan3A_466, %add3A_529 : vector<16xf32>
        %mul3A_531 = arith.mulf %get3A_477, %gather3A_241 : vector<16xf32>
        %mul3A_532 = arith.mulf %get3A_482, %gather3A_273 : vector<16xf32>
        %add3A_533 = arith.addf %mul3A_531, %mul3A_532 : vector<16xf32>
        %mul3A_534 = arith.mulf %get3A_487, %gather3A_305 : vector<16xf32>
        %add3A_535 = arith.addf %add3A_533, %mul3A_534 : vector<16xf32>
        %add3A_536 = arith.addf %add3A_535, %get3A_489 : vector<16xf32>
        %min3A_537 = arith.minimumf %scan3A_467, %add3A_536 : vector<16xf32>
        %mul3A_538 = arith.mulf %get3A_477, %gather3A_245 : vector<16xf32>
        %mul3A_539 = arith.mulf %get3A_482, %gather3A_277 : vector<16xf32>
        %add3A_540 = arith.addf %mul3A_538, %mul3A_539 : vector<16xf32>
        %mul3A_541 = arith.mulf %get3A_487, %gather3A_309 : vector<16xf32>
        %add3A_542 = arith.addf %add3A_540, %mul3A_541 : vector<16xf32>
        %add3A_543 = arith.addf %add3A_542, %get3A_489 : vector<16xf32>
        %min3A_544 = arith.minimumf %scan3A_468, %add3A_543 : vector<16xf32>
        %add3A_545 = arith.constant 16 : i32
        %add3A_546 = arith.addi %mul3A_470, %add3A_545 : i32
        %add3A_547 = arith.constant 0 : i32
        %add3A_548 = arith.addi %mul3A_25, %add3A_547 : i32
        %add3A_549 = arith.addi %add3A_548, %add3A_546 : i32
        %get3A_550 = arith.index_cast %add3A_549 : i32 to index
        %get3A_551 = tpu.vector_load %arg6[%get3A_550] {strides = array<i32>} : memref<49152xf32, #tpu.memory_space<vmem>>, vector<16xf32>,
        %add3A_552 = arith.constant 2048 : i32
        %add3A_553 = arith.addi %mul3A_25, %add3A_552 : i32
        %add3A_554 = arith.addi %add3A_553, %add3A_546 : i32
        %get3A_555 = arith.index_cast %add3A_554 : i32 to index
        %get3A_556 = tpu.vector_load %arg6[%get3A_555] {strides = array<i32>} : memref<49152xf32, #tpu.memory_space<vmem>>, vector<16xf32>,
        %add3A_557 = arith.constant 4096 : i32
        %add3A_558 = arith.addi %mul3A_25, %add3A_557 : i32
        %add3A_559 = arith.addi %add3A_558, %add3A_546 : i32
        %get3A_560 = arith.index_cast %add3A_559 : i32 to index
        %get3A_561 = tpu.vector_load %arg6[%get3A_560] {strides = array<i32>} : memref<49152xf32, #tpu.memory_space<vmem>>, vector<16xf32>,
        %get3A_562 = arith.index_cast %add3A_546 : i32 to index
        %get3A_563 = tpu.vector_load %arg7[%get3A_562] {strides = array<i32>} : memref<2048xf32, #tpu.memory_space<vmem>>, vector<16xf32>,
        %mul3A_564 = arith.mulf %get3A_551, %gather3A_217 : vector<16xf32>
        %mul3A_565 = arith.mulf %get3A_556, %gather3A_249 : vector<16xf32>
        %add3A_566 = arith.addf %mul3A_564, %mul3A_565 : vector<16xf32>
        %mul3A_567 = arith.mulf %get3A_561, %gather3A_281 : vector<16xf32>
        %add3A_568 = arith.addf %add3A_566, %mul3A_567 : vector<16xf32>
        %add3A_569 = arith.addf %add3A_568, %get3A_563 : vector<16xf32>
        %min3A_570 = arith.minimumf %min3A, %add3A_569 : vector<16xf32>
        %mul3A_571 = arith.mulf %get3A_551, %gather3A_221 : vector<16xf32>
        %mul3A_572 = arith.mulf %get3A_556, %gather3A_253 : vector<16xf32>
        %add3A_573 = arith.addf %mul3A_571, %mul3A_572 : vector<16xf32>
        %mul3A_574 = arith.mulf %get3A_561, %gather3A_285 : vector<16xf32>
        %add3A_575 = arith.addf %add3A_573, %mul3A_574 : vector<16xf32>
        %add3A_576 = arith.addf %add3A_575, %get3A_563 : vector<16xf32>
        %min3A_577 = arith.minimumf %min3A_502, %add3A_576 : vector<16xf32>
        %mul3A_578 = arith.mulf %get3A_551, %gather3A_225 : vector<16xf32>
        %mul3A_579 = arith.mulf %get3A_556, %gather3A_257 : vector<16xf32>
        %add3A_580 = arith.addf %mul3A_578, %mul3A_579 : vector<16xf32>
        %mul3A_581 = arith.mulf %get3A_561, %gather3A_289 : vector<16xf32>
        %add3A_582 = arith.addf %add3A_580, %mul3A_581 : vector<16xf32>
        %add3A_583 = arith.addf %add3A_582, %get3A_563 : vector<16xf32>
        %min3A_584 = arith.minimumf %min3A_509, %add3A_583 : vector<16xf32>
        %mul3A_585 = arith.mulf %get3A_551, %gather3A_229 : vector<16xf32>
        %mul3A_586 = arith.mulf %get3A_556, %gather3A_261 : vector<16xf32>
        %add3A_587 = arith.addf %mul3A_585, %mul3A_586 : vector<16xf32>
        %mul3A_588 = arith.mulf %get3A_561, %gather3A_293 : vector<16xf32>
        %add3A_589 = arith.addf %add3A_587, %mul3A_588 : vector<16xf32>
        %add3A_590 = arith.addf %add3A_589, %get3A_563 : vector<16xf32>
        %min3A_591 = arith.minimumf %min3A_516, %add3A_590 : vector<16xf32>
        %mul3A_592 = arith.mulf %get3A_551, %gather3A_233 : vector<16xf32>
        %mul3A_593 = arith.mulf %get3A_556, %gather3A_265 : vector<16xf32>
        %add3A_594 = arith.addf %mul3A_592, %mul3A_593 : vector<16xf32>
        %mul3A_595 = arith.mulf %get3A_561, %gather3A_297 : vector<16xf32>
        %add3A_596 = arith.addf %add3A_594, %mul3A_595 : vector<16xf32>
        %add3A_597 = arith.addf %add3A_596, %get3A_563 : vector<16xf32>
        %min3A_598 = arith.minimumf %min3A_523, %add3A_597 : vector<16xf32>
        %mul3A_599 = arith.mulf %get3A_551, %gather3A_237 : vector<16xf32>
        %mul3A_600 = arith.mulf %get3A_556, %gather3A_269 : vector<16xf32>
        %add3A_601 = arith.addf %mul3A_599, %mul3A_600 : vector<16xf32>
        %mul3A_602 = arith.mulf %get3A_561, %gather3A_301 : vector<16xf32>
        %add3A_603 = arith.addf %add3A_601, %mul3A_602 : vector<16xf32>
        %add3A_604 = arith.addf %add3A_603, %get3A_563 : vector<16xf32>
        %min3A_605 = arith.minimumf %min3A_530, %add3A_604 : vector<16xf32>
        %mul3A_606 = arith.mulf %get3A_551, %gather3A_241 : vector<16xf32>
        %mul3A_607 = arith.mulf %get3A_556, %gather3A_273 : vector<16xf32>
        %add3A_608 = arith.addf %mul3A_606, %mul3A_607 : vector<16xf32>
        %mul3A_609 = arith.mulf %get3A_561, %gather3A_305 : vector<16xf32>
        %add3A_610 = arith.addf %add3A_608, %mul3A_609 : vector<16xf32>
        %add3A_611 = arith.addf %add3A_610, %get3A_563 : vector<16xf32>
        %min3A_612 = arith.minimumf %min3A_537, %add3A_611 : vector<16xf32>
        %mul3A_613 = arith.mulf %get3A_551, %gather3A_245 : vector<16xf32>
        %mul3A_614 = arith.mulf %get3A_556, %gather3A_277 : vector<16xf32>
        %add3A_615 = arith.addf %mul3A_613, %mul3A_614 : vector<16xf32>
        %mul3A_616 = arith.mulf %get3A_561, %gather3A_309 : vector<16xf32>
        %add3A_617 = arith.addf %add3A_615, %mul3A_616 : vector<16xf32>
        %add3A_618 = arith.addf %add3A_617, %get3A_563 : vector<16xf32>
        %min3A_619 = arith.minimumf %min3A_544, %add3A_618 : vector<16xf32>
        scf.yield %min3A_570, %min3A_577, %min3A_584, %min3A_591, %min3A_598, %min3A_605, %min3A_612, %min3A_619 : vector<16xf32>, vector<16xf32>, vector<16xf32>, vector<16xf32>, vector<16xf32>, vector<16xf32>, vector<16xf32>, vector<16xf32>
      }
      %scan3A_331 = arith.constant 64 : i32
      %reduce_min3A = arith.constant true
      %reduce_min3A_332 = vector.broadcast %reduce_min3A : i1 to vector<16xi1>
      %reduce_min3A_333 = tpu.scan <min>, %scan3A_330#0 masked %reduce_min3A_332 : vector<16xf32>, vector<16xi1> -> vector<16xf32>
      %reduce_min3A_334 = vector.extract %reduce_min3A_333[15] : f32 from vector<16xf32>
      %eq3A_335 = arith.constant 0 : i32
      %eq3A_336 = vector.broadcast %eq3A_335 : i32 to vector<16xi32>
      %eq3A_337 = arith.cmpi eq, %iota3A, %eq3A_336 : vector<16xi32>
      %broadcast_in_dim3A_338 = vector.broadcast %reduce_min3A_334 : f32 to vector<16xf32>
      %select_n3A_339 = arith.select %eq3A_337, %broadcast_in_dim3A_338, %broadcast_in_dim3A_213 : vector<16xi1>, vector<16xf32>
      %reduce_min3A_340 = arith.constant true
      %reduce_min3A_341 = vector.broadcast %reduce_min3A_340 : i1 to vector<16xi1>
      %reduce_min3A_342 = tpu.scan <min>, %scan3A_330#1 masked %reduce_min3A_341 : vector<16xf32>, vector<16xi1> -> vector<16xf32>
      %reduce_min3A_343 = vector.extract %reduce_min3A_342[15] : f32 from vector<16xf32>
      %eq3A_344 = arith.constant 1 : i32
      %eq3A_345 = vector.broadcast %eq3A_344 : i32 to vector<16xi32>
      %eq3A_346 = arith.cmpi eq, %iota3A, %eq3A_345 : vector<16xi32>
      %broadcast_in_dim3A_347 = vector.broadcast %reduce_min3A_343 : f32 to vector<16xf32>
      %select_n3A_348 = arith.select %eq3A_346, %broadcast_in_dim3A_347, %select_n3A_339 : vector<16xi1>, vector<16xf32>
      %reduce_min3A_349 = arith.constant true
      %reduce_min3A_350 = vector.broadcast %reduce_min3A_349 : i1 to vector<16xi1>
      %reduce_min3A_351 = tpu.scan <min>, %scan3A_330#2 masked %reduce_min3A_350 : vector<16xf32>, vector<16xi1> -> vector<16xf32>
      %reduce_min3A_352 = vector.extract %reduce_min3A_351[15] : f32 from vector<16xf32>
      %eq3A_353 = arith.constant 2 : i32
      %eq3A_354 = vector.broadcast %eq3A_353 : i32 to vector<16xi32>
      %eq3A_355 = arith.cmpi eq, %iota3A, %eq3A_354 : vector<16xi32>
      %broadcast_in_dim3A_356 = vector.broadcast %reduce_min3A_352 : f32 to vector<16xf32>
      %select_n3A_357 = arith.select %eq3A_355, %broadcast_in_dim3A_356, %select_n3A_348 : vector<16xi1>, vector<16xf32>
      %reduce_min3A_358 = arith.constant true
      %reduce_min3A_359 = vector.broadcast %reduce_min3A_358 : i1 to vector<16xi1>
      %reduce_min3A_360 = tpu.scan <min>, %scan3A_330#3 masked %reduce_min3A_359 : vector<16xf32>, vector<16xi1> -> vector<16xf32>
      %reduce_min3A_361 = vector.extract %reduce_min3A_360[15] : f32 from vector<16xf32>
      %eq3A_362 = arith.constant 3 : i32
      %eq3A_363 = vector.broadcast %eq3A_362 : i32 to vector<16xi32>
      %eq3A_364 = arith.cmpi eq, %iota3A, %eq3A_363 : vector<16xi32>
      %broadcast_in_dim3A_365 = vector.broadcast %reduce_min3A_361 : f32 to vector<16xf32>
      %select_n3A_366 = arith.select %eq3A_364, %broadcast_in_dim3A_365, %select_n3A_357 : vector<16xi1>, vector<16xf32>
      %reduce_min3A_367 = arith.constant true
      %reduce_min3A_368 = vector.broadcast %reduce_min3A_367 : i1 to vector<16xi1>
      %reduce_min3A_369 = tpu.scan <min>, %scan3A_330#4 masked %reduce_min3A_368 : vector<16xf32>, vector<16xi1> -> vector<16xf32>
      %reduce_min3A_370 = vector.extract %reduce_min3A_369[15] : f32 from vector<16xf32>
      %eq3A_371 = arith.constant 4 : i32
      %eq3A_372 = vector.broadcast %eq3A_371 : i32 to vector<16xi32>
      %eq3A_373 = arith.cmpi eq, %iota3A, %eq3A_372 : vector<16xi32>
      %broadcast_in_dim3A_374 = vector.broadcast %reduce_min3A_370 : f32 to vector<16xf32>
      %select_n3A_375 = arith.select %eq3A_373, %broadcast_in_dim3A_374, %select_n3A_366 : vector<16xi1>, vector<16xf32>
      %reduce_min3A_376 = arith.constant true
      %reduce_min3A_377 = vector.broadcast %reduce_min3A_376 : i1 to vector<16xi1>
      %reduce_min3A_378 = tpu.scan <min>, %scan3A_330#5 masked %reduce_min3A_377 : vector<16xf32>, vector<16xi1> -> vector<16xf32>
      %reduce_min3A_379 = vector.extract %reduce_min3A_378[15] : f32 from vector<16xf32>
      %eq3A_380 = arith.constant 5 : i32
      %eq3A_381 = vector.broadcast %eq3A_380 : i32 to vector<16xi32>
      %eq3A_382 = arith.cmpi eq, %iota3A, %eq3A_381 : vector<16xi32>
      %broadcast_in_dim3A_383 = vector.broadcast %reduce_min3A_379 : f32 to vector<16xf32>
      %select_n3A_384 = arith.select %eq3A_382, %broadcast_in_dim3A_383, %select_n3A_375 : vector<16xi1>, vector<16xf32>
      %reduce_min3A_385 = arith.constant true
      %reduce_min3A_386 = vector.broadcast %reduce_min3A_385 : i1 to vector<16xi1>
      %reduce_min3A_387 = tpu.scan <min>, %scan3A_330#6 masked %reduce_min3A_386 : vector<16xf32>, vector<16xi1> -> vector<16xf32>
      %reduce_min3A_388 = vector.extract %reduce_min3A_387[15] : f32 from vector<16xf32>
      %eq3A_389 = arith.constant 6 : i32
      %eq3A_390 = vector.broadcast %eq3A_389 : i32 to vector<16xi32>
      %eq3A_391 = arith.cmpi eq, %iota3A, %eq3A_390 : vector<16xi32>
      %broadcast_in_dim3A_392 = vector.broadcast %reduce_min3A_388 : f32 to vector<16xf32>
      %select_n3A_393 = arith.select %eq3A_391, %broadcast_in_dim3A_392, %select_n3A_384 : vector<16xi1>, vector<16xf32>
      %reduce_min3A_394 = arith.constant true
      %reduce_min3A_395 = vector.broadcast %reduce_min3A_394 : i1 to vector<16xi1>
      %reduce_min3A_396 = tpu.scan <min>, %scan3A_330#7 masked %reduce_min3A_395 : vector<16xf32>, vector<16xi1> -> vector<16xf32>
      %reduce_min3A_397 = vector.extract %reduce_min3A_396[15] : f32 from vector<16xf32>
      %eq3A_398 = arith.constant 7 : i32
      %eq3A_399 = vector.broadcast %eq3A_398 : i32 to vector<16xi32>
      %eq3A_400 = arith.cmpi eq, %iota3A, %eq3A_399 : vector<16xi32>
      %broadcast_in_dim3A_401 = vector.broadcast %reduce_min3A_397 : f32 to vector<16xf32>
      %select_n3A_402 = arith.select %eq3A_400, %broadcast_in_dim3A_401, %select_n3A_393 : vector<16xi1>, vector<16xf32>
      %add3A_403 = arith.addf %select_n3A_402, %add3A_125 : vector<16xf32>
      %max3A_404 = arith.constant 1.000000e-30 : f32
      %max3A_405 = vector.broadcast %max3A_404 : f32 to vector<16xf32>
      %max3A_406 = arith.maximumf %add3A_403, %max3A_405 : vector<16xf32>
      %bitcast_convert_type3A_407 = tpu.bitcast %max3A_406 : vector<16xf32> -> vector<16xi32>
      %shift_right_arithmetic3A_408 = arith.constant 1 : i32
      %shift_right_arithmetic3A_409 = vector.broadcast %shift_right_arithmetic3A_408 : i32 to vector<16xi32>
      %shift_right_arithmetic3A_410 = arith.shrsi %bitcast_convert_type3A_407, %shift_right_arithmetic3A_409 : vector<16xi32>
      %sub3A_411 = arith.constant 1597463007 : i32
      %sub3A_412 = vector.broadcast %sub3A_411 : i32 to vector<16xi32>
      %sub3A_413 = arith.subi %sub3A_412, %shift_right_arithmetic3A_410 : vector<16xi32>
      %bitcast_convert_type3A_414 = tpu.bitcast %sub3A_413 : vector<16xi32> -> vector<16xf32>
      %mul3A_415 = arith.constant 5.000000e-01 : f32
      %mul3A_416 = vector.broadcast %mul3A_415 : f32 to vector<16xf32>
      %mul3A_417 = arith.mulf %mul3A_416, %max3A_406 : vector<16xf32>
      %mul3A_418 = arith.mulf %mul3A_417, %bitcast_convert_type3A_414 : vector<16xf32>
      %mul3A_419 = arith.mulf %mul3A_418, %bitcast_convert_type3A_414 : vector<16xf32>
      %sub3A_420 = arith.constant 1.500000e+00 : f32
      %sub3A_421 = vector.broadcast %sub3A_420 : f32 to vector<16xf32>
      %sub3A_422 = arith.subf %sub3A_421, %mul3A_419 : vector<16xf32>
      %mul3A_423 = arith.mulf %bitcast_convert_type3A_414, %sub3A_422 : vector<16xf32>
      %mul3A_424 = arith.mulf %mul3A_417, %mul3A_423 : vector<16xf32>
      %mul3A_425 = arith.mulf %mul3A_424, %mul3A_423 : vector<16xf32>
      %sub3A_426 = arith.constant 1.500000e+00 : f32
      %sub3A_427 = vector.broadcast %sub3A_426 : f32 to vector<16xf32>
      %sub3A_428 = arith.subf %sub3A_427, %mul3A_425 : vector<16xf32>
      %mul3A_429 = arith.mulf %mul3A_423, %sub3A_428 : vector<16xf32>
      %mul3A_430 = arith.mulf %mul3A_417, %mul3A_429 : vector<16xf32>
      %mul3A_431 = arith.mulf %mul3A_430, %mul3A_429 : vector<16xf32>
      %sub3A_432 = arith.constant 1.500000e+00 : f32
      %sub3A_433 = vector.broadcast %sub3A_432 : f32 to vector<16xf32>
      %sub3A_434 = arith.subf %sub3A_433, %mul3A_431 : vector<16xf32>
      %mul3A_435 = arith.mulf %mul3A_429, %sub3A_434 : vector<16xf32>
      %max3A_436 = arith.constant 0.000000e+00 : f32
      %max3A_437 = vector.broadcast %max3A_436 : f32 to vector<16xf32>
      %max3A_438 = arith.maximumf %add3A_403, %max3A_437 : vector<16xf32>
      %mul3A_439 = arith.mulf %max3A_438, %mul3A_435 : vector<16xf32>
      %jit3A_440 = arith.constant 0.000000e+00 : f32
      %broadcast_in_dim3A_441 = vector.broadcast %jit3A_440 : f32 to vector<16xf32>
      %select_n3A_442 = arith.select %lt3A_93, %mul3A_439, %broadcast_in_dim3A_441 : vector<16xi1>, vector<16xf32>
      %eq3A_443 = vector.broadcast %scan3A_19 : i32 to vector<16xi32>
      %eq3A_444 = arith.cmpi eq, %iota3A, %eq3A_443 : vector<16xi32>
      %reduce_sum3A = arith.constant true
      %reduce_sum3A_445 = vector.broadcast %reduce_sum3A : i1 to vector<16xi1>
      %reduce_sum3A_446 = tpu.scan <sum>, %select_n3A_442 masked %reduce_sum3A_445 : vector<16xf32>, vector<16xi1> -> vector<16xf32>
      %reduce_sum3A_447 = vector.extract %reduce_sum3A_446[15] : f32 from vector<16xf32>
      %broadcast_in_dim3A_448 = vector.broadcast %reduce_sum3A_447 : f32 to vector<16xf32>
      %select_n3A_449 = arith.select %eq3A_444, %broadcast_in_dim3A_448, %scan3A_20 : vector<16xi1>, vector<16xf32>
      %add3A_450 = arith.constant 8 : i32
      %add3A_451 = arith.addi %scan3A_19, %add3A_450 : i32
      %eq3A_452 = vector.broadcast %add3A_451 : i32 to vector<16xi32>
      %eq3A_453 = arith.cmpi eq, %iota3A, %eq3A_452 : vector<16xi32>
      %reduce_sum3A_454 = arith.constant true
      %reduce_sum3A_455 = vector.broadcast %reduce_sum3A_454 : i1 to vector<16xi1>
      %reduce_sum3A_456 = tpu.scan <sum>, %select_n3A_211 masked %reduce_sum3A_455 : vector<16xf32>, vector<16xi1> -> vector<16xf32>
      %reduce_sum3A_457 = vector.extract %reduce_sum3A_456[15] : f32 from vector<16xf32>
      %broadcast_in_dim3A_458 = vector.broadcast %reduce_sum3A_457 : f32 to vector<16xf32>
      %select_n3A_459 = arith.select %eq3A_453, %broadcast_in_dim3A_458, %select_n3A_449 : vector<16xi1>, vector<16xf32>
      scf.yield %select_n3A_459 : vector<16xf32>
    }
    %scan3A_17 = arith.constant 8 : i32
    %swap3A = arith.constant 0 : index
    %swap3A_18 = tpu.vector_load %arg10[%swap3A] {strides = array<i32>} : memref<16xf32, #tpu.memory_space<vmem>>, vector<16xf32>,
    tpu.vector_store %arg10[%swap3A], %scan3A_16 {strides = array<i32>} : memref<16xf32, #tpu.memory_space<vmem>>, vector<16xf32>,
    "tpu.region"() ({
      %run_scoped3A = tpu.sem_alloc : memref<!tpu.dma_semaphore, #tpu.memory_space<semaphore_mem>>
      %dma_start3A = arith.constant 0 : i32
      %dma_start3A_19 = tpu.memref_slice %arg5[%add3A, %dma_start3A] : memref<32x16xf32, #tpu.memory_space<hbm>> -> memref<1x16xf32, #tpu.memory_space<hbm>>
      %dma_start3A_20 = tpu.memref_squeeze %dma_start3A_19 : memref<1x16xf32, #tpu.memory_space<hbm>> -> memref<16xf32, #tpu.memory_space<hbm>>
      %dma_start3A_21 = arith.constant 0 : i32
      %dma_start3A_22 = tpu.memref_slice %arg5[%add3A, %dma_start3A_21] : memref<32x16xf32, #tpu.memory_space<hbm>> -> memref<1x16xf32, #tpu.memory_space<hbm>>
      %dma_start3A_23 = tpu.memref_squeeze %dma_start3A_22 : memref<1x16xf32, #tpu.memory_space<hbm>> -> memref<16xf32, #tpu.memory_space<hbm>>
      tpu.enqueue_dma source(%arg10 : memref<16xf32, #tpu.memory_space<vmem>>) target(%dma_start3A_23 : memref<16xf32, #tpu.memory_space<hbm>>) target_semaphore(%run_scoped3A : memref<!tpu.dma_semaphore, #tpu.memory_space<semaphore_mem>>)
      %dma_wait3A = arith.constant 0 : i32
      %dma_wait3A_24 = tpu.memref_slice %arg5[%add3A, %dma_wait3A] : memref<32x16xf32, #tpu.memory_space<hbm>> -> memref<1x16xf32, #tpu.memory_space<hbm>>
      %dma_wait3A_25 = tpu.memref_squeeze %dma_wait3A_24 : memref<1x16xf32, #tpu.memory_space<hbm>> -> memref<16xf32, #tpu.memory_space<hbm>>
      %dma_wait3A_26 = arith.constant 0 : i32
      %dma_wait3A_27 = tpu.memref_slice %arg5[%add3A, %dma_wait3A_26] : memref<32x16xf32, #tpu.memory_space<hbm>> -> memref<1x16xf32, #tpu.memory_space<hbm>>
      %dma_wait3A_28 = tpu.memref_squeeze %dma_wait3A_27 : memref<1x16xf32, #tpu.memory_space<hbm>> -> memref<16xf32, #tpu.memory_space<hbm>>
      tpu.wait_dma2 semaphore(%run_scoped3A : memref<!tpu.dma_semaphore, #tpu.memory_space<semaphore_mem>>) src(%arg10 : memref<16xf32, #tpu.memory_space<vmem>>) dst(%dma_wait3A_28 : memref<16xf32, #tpu.memory_space<hbm>>)
      tpu.yield
    }) : () -> ()
    return
  }
}

module attributes {stable_mosaic.version = 14 : i64} {
  func.func @_tc_body(%arg0: i32, %arg1: memref<1x3x2048xf32, #tpu.memory_space<vmem>>, %arg2: memref<1x1792x3xf32, #tpu.memory_space<vmem>>, %arg3: memref<1x1792x3xf32, #tpu.memory_space<vmem>>, %arg4: memref<1x4x8xf32, #tpu.memory_space<vmem>>, %arg5: memref<1x8x128xf32, #tpu.memory_space<vmem>>) attributes {dimension_semantics = [#tpu.dimension_semantics<arbitrary>], iteration_bounds = array<i64: 8>, scalar_prefetch = 0 : i64, scratch_operands = 0 : i64, tpu.core_type = #tpu.core_type<tc>, window_params = [{transform_indices = @transform_0, window_bounds = array<i64: 1, 3, 2048>}, {transform_indices = @transform_1, window_bounds = array<i64: 1, 1792, 3>}, {transform_indices = @transform_2, window_bounds = array<i64: 1, 1792, 3>}, {transform_indices = @transform_3, window_bounds = array<i64: 1, 4, 8>}, {transform_indices = @transform_4, window_bounds = array<i64: 1, 8, 128>}]} {
    %get3A = arith.constant 0 : index
    %get3A_0 = arith.constant 0 : index
    %get3A_1 = arith.constant 0 : index
    %get3A_2 = vector.load %arg1[%get3A, %get3A_0, %get3A_1] : memref<1x3x2048xf32, #tpu.memory_space<vmem>>, vector<1x3x2048xf32>
    %get3A_3 = vector.shape_cast %get3A_2 : vector<1x3x2048xf32> to vector<3x2048xf32>
    %get3A_4 = arith.constant 0 : index
    %get3A_5 = arith.constant 0 : index
    %get3A_6 = arith.constant 0 : index
    %get3A_7 = vector.load %arg2[%get3A_4, %get3A_5, %get3A_6] : memref<1x1792x3xf32, #tpu.memory_space<vmem>>, vector<1x1792x3xf32>
    %get3A_8 = vector.shape_cast %get3A_7 : vector<1x1792x3xf32> to vector<1792x3xf32>
    %get3A_9 = arith.constant 0 : index
    %get3A_10 = arith.constant 0 : index
    %get3A_11 = arith.constant 0 : index
    %get3A_12 = vector.load %arg3[%get3A_9, %get3A_10, %get3A_11] : memref<1x1792x3xf32, #tpu.memory_space<vmem>>, vector<1x1792x3xf32>
    %get3A_13 = vector.shape_cast %get3A_12 : vector<1x1792x3xf32> to vector<1792x3xf32>
    %get3A_14 = arith.constant 0 : index
    %get3A_15 = arith.constant 0 : index
    %get3A_16 = arith.constant 0 : index
    %get3A_17 = vector.load %arg4[%get3A_14, %get3A_15, %get3A_16] : memref<1x4x8xf32, #tpu.memory_space<vmem>>, vector<1x3x8xf32>
    %get3A_18 = vector.shape_cast %get3A_17 : vector<1x3x8xf32> to vector<3x8xf32>
    %get3A_19 = arith.constant 0 : index
    %get3A_20 = arith.constant 3 : index
    %get3A_21 = arith.constant 0 : index
    %get3A_22 = vector.load %arg4[%get3A_19, %get3A_20, %get3A_21] : memref<1x4x8xf32, #tpu.memory_space<vmem>>, vector<1x1x8xf32>
    %get3A_23 = vector.shape_cast %get3A_22 : vector<1x1x8xf32> to vector<1x8xf32>
    %dot_general3A = arith.constant dense<0.000000e+00> : vector<1792x8xf32>
    %dot_general3A_24 = tpu.matmul %get3A_8, %get3A_18, %dot_general3A {dimension_numbers = #tpu.dot_dimension_numbers<[1], [0], [0], [1], [0, 0, 1, 1], [], []>, transpose_lhs_hint = false} : vector<1792x3xf32>, vector<3x8xf32>, vector<1792x8xf32> -> vector<1792x8xf32>
    %add3A = vector.broadcast %get3A_23 : vector<1x8xf32> to vector<1792x8xf32>
    %add3A_25 = arith.addf %dot_general3A_24, %add3A : vector<1792x8xf32>
    %slice3A = vector.extract_strided_slice %get3A_3 {offsets = [0, 0], sizes = [1, 2048], strides = [1, 1]} : vector<3x2048xf32> to vector<1x2048xf32>
    %slice3A_26 = vector.extract_strided_slice %get3A_3 {offsets = [0, 0], sizes = [1, 2048], strides = [1, 1]} : vector<3x2048xf32> to vector<1x2048xf32>
    %mul3A = arith.mulf %slice3A, %slice3A_26 : vector<1x2048xf32>
    %slice3A_27 = vector.extract_strided_slice %get3A_3 {offsets = [1, 0], sizes = [1, 2048], strides = [1, 1]} : vector<3x2048xf32> to vector<1x2048xf32>
    %slice3A_28 = vector.extract_strided_slice %get3A_3 {offsets = [1, 0], sizes = [1, 2048], strides = [1, 1]} : vector<3x2048xf32> to vector<1x2048xf32>
    %mul3A_29 = arith.mulf %slice3A_27, %slice3A_28 : vector<1x2048xf32>
    %add3A_30 = arith.addf %mul3A, %mul3A_29 : vector<1x2048xf32>
    %slice3A_31 = vector.extract_strided_slice %get3A_3 {offsets = [2, 0], sizes = [1, 2048], strides = [1, 1]} : vector<3x2048xf32> to vector<1x2048xf32>
    %slice3A_32 = vector.extract_strided_slice %get3A_3 {offsets = [2, 0], sizes = [1, 2048], strides = [1, 1]} : vector<3x2048xf32> to vector<1x2048xf32>
    %mul3A_33 = arith.mulf %slice3A_31, %slice3A_32 : vector<1x2048xf32>
    %add3A_34 = arith.addf %add3A_30, %mul3A_33 : vector<1x2048xf32>
    %mul3A_35 = arith.constant -2.000000e+00 : f32
    %mul3A_36 = vector.broadcast %mul3A_35 : f32 to vector<3x2048xf32>
    %mul3A_37 = arith.mulf %mul3A_36, %get3A_3 : vector<3x2048xf32>
    %broadcast_in_dim3A = arith.constant 0.000000e+00 : f32
    %broadcast_in_dim3A_38 = vector.broadcast %broadcast_in_dim3A : f32 to vector<4x2048xf32>
    %concatenate3A = tpu.concatenate %mul3A_37, %add3A_34, %broadcast_in_dim3A_38 in 0 : vector<3x2048xf32>, vector<1x2048xf32>, vector<4x2048xf32> -> vector<8x2048xf32>
    %broadcast_in_dim3A_39 = arith.constant 3.000000e+38 : f32
    %broadcast_in_dim3A_40 = vector.broadcast %broadcast_in_dim3A_39 : f32 to vector<1792xf32>
    %slice3A_41 = vector.extract_strided_slice %concatenate3A {offsets = [0, 0], sizes = [8, 512], strides = [1, 1]} : vector<8x2048xf32> to vector<8x512xf32>
    %dot_general3A_42 = arith.constant dense<0.000000e+00> : vector<1792x512xf32>
    %dot_general3A_43 = tpu.matmul %add3A_25, %slice3A_41, %dot_general3A_42 {dimension_numbers = #tpu.dot_dimension_numbers<[1], [0], [0], [1], [0, 0, 1, 1], [], []>, transpose_lhs_hint = false} : vector<1792x8xf32>, vector<8x512xf32>, vector<1792x512xf32> -> vector<1792x512xf32>
    %reduce_min3A = arith.constant dense<0x7F800000> : vector<1792xf32>
    %reduce_min3A_44 = vector.multi_reduction <minimumf>, %dot_general3A_43, %reduce_min3A [1] : vector<1792x512xf32> to vector<1792xf32>
    %min3A = arith.minimumf %broadcast_in_dim3A_40, %reduce_min3A_44 : vector<1792xf32>
    %slice3A_45 = vector.extract_strided_slice %concatenate3A {offsets = [0, 512], sizes = [8, 512], strides = [1, 1]} : vector<8x2048xf32> to vector<8x512xf32>
    %dot_general3A_46 = arith.constant dense<0.000000e+00> : vector<1792x512xf32>
    %dot_general3A_47 = tpu.matmul %add3A_25, %slice3A_45, %dot_general3A_46 {dimension_numbers = #tpu.dot_dimension_numbers<[1], [0], [0], [1], [0, 0, 1, 1], [], []>, transpose_lhs_hint = false} : vector<1792x8xf32>, vector<8x512xf32>, vector<1792x512xf32> -> vector<1792x512xf32>
    %reduce_min3A_48 = arith.constant dense<0x7F800000> : vector<1792xf32>
    %reduce_min3A_49 = vector.multi_reduction <minimumf>, %dot_general3A_47, %reduce_min3A_48 [1] : vector<1792x512xf32> to vector<1792xf32>
    %min3A_50 = arith.minimumf %min3A, %reduce_min3A_49 : vector<1792xf32>
    %slice3A_51 = vector.extract_strided_slice %concatenate3A {offsets = [0, 1024], sizes = [8, 512], strides = [1, 1]} : vector<8x2048xf32> to vector<8x512xf32>
    %dot_general3A_52 = arith.constant dense<0.000000e+00> : vector<1792x512xf32>
    %dot_general3A_53 = tpu.matmul %add3A_25, %slice3A_51, %dot_general3A_52 {dimension_numbers = #tpu.dot_dimension_numbers<[1], [0], [0], [1], [0, 0, 1, 1], [], []>, transpose_lhs_hint = false} : vector<1792x8xf32>, vector<8x512xf32>, vector<1792x512xf32> -> vector<1792x512xf32>
    %reduce_min3A_54 = arith.constant dense<0x7F800000> : vector<1792xf32>
    %reduce_min3A_55 = vector.multi_reduction <minimumf>, %dot_general3A_53, %reduce_min3A_54 [1] : vector<1792x512xf32> to vector<1792xf32>
    %min3A_56 = arith.minimumf %min3A_50, %reduce_min3A_55 : vector<1792xf32>
    %slice3A_57 = vector.extract_strided_slice %concatenate3A {offsets = [0, 1536], sizes = [8, 512], strides = [1, 1]} : vector<8x2048xf32> to vector<8x512xf32>
    %dot_general3A_58 = arith.constant dense<0.000000e+00> : vector<1792x512xf32>
    %dot_general3A_59 = tpu.matmul %add3A_25, %slice3A_57, %dot_general3A_58 {dimension_numbers = #tpu.dot_dimension_numbers<[1], [0], [0], [1], [0, 0, 1, 1], [], []>, transpose_lhs_hint = false} : vector<1792x8xf32>, vector<8x512xf32>, vector<1792x512xf32> -> vector<1792x512xf32>
    %reduce_min3A_60 = arith.constant dense<0x7F800000> : vector<1792xf32>
    %reduce_min3A_61 = vector.multi_reduction <minimumf>, %dot_general3A_59, %reduce_min3A_60 [1] : vector<1792x512xf32> to vector<1792xf32>
    %min3A_62 = arith.minimumf %min3A_56, %reduce_min3A_61 : vector<1792xf32>
    %slice3A_63 = vector.extract_strided_slice %add3A_25 {offsets = [0, 0], sizes = [1792, 3], strides = [1, 1]} : vector<1792x8xf32> to vector<1792x3xf32>
    %mul3A_64 = arith.mulf %slice3A_63, %slice3A_63 : vector<1792x3xf32>
    %reduce_sum3A = arith.constant dense<0.000000e+00> : vector<1792xf32>
    %reduce_sum3A_65 = vector.multi_reduction <add>, %mul3A_64, %reduce_sum3A [1] : vector<1792x3xf32> to vector<1792xf32>
    %add3A_66 = arith.addf %min3A_62, %reduce_sum3A_65 : vector<1792xf32>
    %max3A = arith.constant 0.000000e+00 : f32
    %max3A_67 = vector.broadcast %max3A : f32 to vector<1792xf32>
    %max3A_68 = arith.maximumf %add3A_66, %max3A_67 : vector<1792xf32>
    %sqrt3A = math.sqrt %max3A_68 : vector<1792xf32>
    %sub3A = arith.subf %slice3A_63, %get3A_13 : vector<1792x3xf32>
    %mul3A_69 = arith.mulf %sub3A, %sub3A : vector<1792x3xf32>
    %reduce_sum3A_70 = arith.constant dense<0.000000e+00> : vector<1792xf32>
    %reduce_sum3A_71 = vector.multi_reduction <add>, %mul3A_69, %reduce_sum3A_70 [1] : vector<1792x3xf32> to vector<1792xf32>
    %sqrt3A_72 = math.sqrt %reduce_sum3A_71 : vector<1792xf32>
    %iota3A = tpu.iota {dimensions = array<i32: 2>} : vector<1x8x128xi32>
    %eq3A = arith.constant 0 : i32
    %eq3A_73 = vector.broadcast %eq3A : i32 to vector<1x8x128xi32>
    %eq3A_74 = arith.cmpi eq, %iota3A, %eq3A_73 : vector<1x8x128xi32>
    %reduce_sum3A_75 = vector.shape_cast %sqrt3A : vector<1792xf32> to vector<1x1792xf32>
    %reduce_sum3A_76 = arith.constant dense<0.000000e+00> : vector<1xf32>
    %reduce_sum3A_77 = vector.multi_reduction <add>, %reduce_sum3A_75, %reduce_sum3A_76 [1] : vector<1x1792xf32> to vector<1xf32>
    %reduce_sum3A_78 = vector.shape_cast %reduce_sum3A_77 : vector<1xf32> to vector<1x1xf32>
    %reduce_sum3A_79 = vector.extract %reduce_sum3A_78[0, 0] : f32 from vector<1x1xf32>
    %eq3A_80 = arith.constant 1 : i32
    %eq3A_81 = vector.broadcast %eq3A_80 : i32 to vector<1x8x128xi32>
    %eq3A_82 = arith.cmpi eq, %iota3A, %eq3A_81 : vector<1x8x128xi32>
    %reduce_sum3A_83 = vector.shape_cast %sqrt3A_72 : vector<1792xf32> to vector<1x1792xf32>
    %reduce_sum3A_84 = arith.constant dense<0.000000e+00> : vector<1xf32>
    %reduce_sum3A_85 = vector.multi_reduction <add>, %reduce_sum3A_83, %reduce_sum3A_84 [1] : vector<1x1792xf32> to vector<1xf32>
    %reduce_sum3A_86 = vector.shape_cast %reduce_sum3A_85 : vector<1xf32> to vector<1x1xf32>
    %reduce_sum3A_87 = vector.extract %reduce_sum3A_86[0, 0] : f32 from vector<1x1xf32>
    %jit3A = arith.constant 0.000000e+00 : f32
    %broadcast_in_dim3A_88 = vector.broadcast %reduce_sum3A_87 : f32 to vector<1x8x128xf32>
    %broadcast_in_dim3A_89 = vector.broadcast %jit3A : f32 to vector<1x8x128xf32>
    %select_n3A = arith.select %eq3A_82, %broadcast_in_dim3A_88, %broadcast_in_dim3A_89 : vector<1x8x128xi1>, vector<1x8x128xf32>
    %broadcast_in_dim3A_90 = vector.broadcast %reduce_sum3A_79 : f32 to vector<1x8x128xf32>
    %select_n3A_91 = arith.select %eq3A_74, %broadcast_in_dim3A_90, %select_n3A : vector<1x8x128xi1>, vector<1x8x128xf32>
    %swap3A = arith.constant 0 : index
    %swap3A_92 = arith.constant 0 : index
    %swap3A_93 = arith.constant 0 : index
    %swap3A_94 = vector.load %arg5[%swap3A, %swap3A_92, %swap3A_93] : memref<1x8x128xf32, #tpu.memory_space<vmem>>, vector<1x8x128xf32>
    tpu.vector_store %arg5[%swap3A, %swap3A_92, %swap3A_93], %select_n3A_91 {strides = array<i32>} : memref<1x8x128xf32, #tpu.memory_space<vmem>>, vector<1x8x128xf32>,
    return
  }
  func.func @transform_0(%arg0: i32) -> (i32, i32, i32) {
    %c0_i32 = arith.constant 0 : i32
    %c0_i32_0 = arith.constant 0 : i32
    %c0_i32_1 = arith.constant 0 : i32
    return %arg0, %c0_i32, %c0_i32_0 : i32, i32, i32
  }
  func.func @transform_1(%arg0: i32) -> (i32, i32, i32) {
    %c0_i32 = arith.constant 0 : i32
    %c0_i32_0 = arith.constant 0 : i32
    %c0_i32_1 = arith.constant 0 : i32
    return %arg0, %c0_i32, %c0_i32_0 : i32, i32, i32
  }
  func.func @transform_2(%arg0: i32) -> (i32, i32, i32) {
    %c0_i32 = arith.constant 0 : i32
    %c0_i32_0 = arith.constant 0 : i32
    %c0_i32_1 = arith.constant 0 : i32
    return %arg0, %c0_i32, %c0_i32_0 : i32, i32, i32
  }
  func.func @transform_3(%arg0: i32) -> (i32, i32, i32) {
    %c0_i32 = arith.constant 0 : i32
    %c0_i32_0 = arith.constant 0 : i32
    %c0_i32_1 = arith.constant 0 : i32
    return %arg0, %c0_i32, %c0_i32_0 : i32, i32, i32
  }
  func.func @transform_4(%arg0: i32) -> (i32, i32, i32) {
    %c0_i32 = arith.constant 0 : i32
    %c0_i32_0 = arith.constant 0 : i32
    %c0_i32_1 = arith.constant 0 : i32
    return %arg0, %c0_i32, %c0_i32_0 : i32, i32, i32
  }
}

</mosaic_0001>

<sc_bundles>
// kernel: kernel.4.cloned.1.call-start
scs
__scs_entry_jumppad:
0x0: {  	(pc) =	sbr.rel $0x88, $3  }
0x1: {  	(tag) =	ssettag $0x0;
	lr =	simm.s32 $0x1  }
0x2: {  	[smem:$0x3F9D] =	sst lr;
	_ =	strace $0xD0000000  }
0x3: {  	_ = 	snop  }
0x4: {  	_ = 	snop  }
0x5: {  	_ = 	snop  }
0x6: {  	_ = 	snop  }
0x7: {  	_ = 	snop  }
__scs_overlays_trampoline_lowered:
0x8: {  	[smem:$0x3FAC] =	sst s0  }
0x9: {  	[smem:$0x3FAD] =	sst s1  }
0xa: {  	[smem:$0x3FAE] =	sst s2  }
0xb: {  	[smem:$0x3FAF] =	sst s3  }
0xc: {  	[smem:$0x3FB0] =	sst s4  }
0xd: {  	[smem:$0x3FB1] =	sst s5  }
0xe: {  	[smem:$0x3FB2] =	sst s6  }
0xf: {  	[smem:$0x3FB3] =	sst s7  }
0x10: {  	[smem:$0x3FB4] =	sst s8  }
0x11: {  	[smem:$0x3FB5] =	sst s9;
	s0 =	simm.s32 @!p0 $0x0  }
0x12: {  	s1 =	sld [smem:$0x3F9B];
	s0 =	simm.s32 @p0 $0x1  }
0x13: {  	[smem:$0x3FB6] =	sst s0;
	s0 =	simm.s32 @!p1 $0x0  }
0x14: {  	s2 =	sld [smem:$0x3F9A];
	s0 =	simm.s32 @p1 $0x1  }
0x15: {  	[smem:$0x3FB7] =	sst s0;
	s0 =	simm.s32 @!p2 $0x0  }
0x16: {  	s3 =	sld [smem:$0x3FDB];
	s0 =	simm.s32 @p2 $0x1  }
0x17: {  	s4 =	simm.s32 $0x1BF5;
	[smem:$0x3FB9] =	sst s0  }
0x18: {  	s0 =	sld [smem:$0x3F9C];
	_ =	swait.ge [sflag:s4], $0x0  }
0x19: {  	s7 =	sld [smem:$0x3F9D]  }
0x1a: {  	s8 =	sadd.s32 $0xFFFFE003, lr  }
0x1b: {  	s9 =	sadd.s32 $0xFFFFFEF7, lr;
	s5 =	simm.s32 $0xFFFFFFFF;
	p2 =	slt.u32 s8, $0xFFFFF086  }
0x1c: {  	p1 =	slt.u32 s9, $0xF7A;
	s5 =	simm.s32 @!p2 $0x0  }
0x1d: {  	s5 =	simm.s32 @p1 $0x1;
	p0 =	seq.s32 s7, s2  }
0x1e: {  	s7 =	smul.u32 @!p0 $0xF7A, s2;
	p2 =	seq.s32 @!p0 s5, $0x0  }
0x1f: {  	s9 =	smul.u32 $0xF7A, s1;
	s8 =	simm.s32 @!p0 $0x1BF5;
	p2 =	por !p2, p0  }
0x20: {  	[sflag:s8] =	ssyncset.s32 @!p0 $0xFFFFF086;
	s6 =	sadd.s32 @!p0 s3, s7;
	s7 =	simm.s32 @!p0 $0x108  }
0x21: {  	s3 =	sadd.s32 s3, s9;
	s6 =	sadd.s32 @!p0 $0x88, s6;
	s7 =	simm.s32 @p2 $0x1082  }
0x22: {  	[simem:s7], [sflag:s8] =	dma.local @!p0 [hbm:s6], $0xF7A  }
0x23: {  	s9 =	sor.u32 $0xD0000000, s2;
	s6 =	simm.s32 $0x108;
	_ =	swait.ge @!p0 [sflag:s8], $0x0  }
0x24: {  	s3 =	sadd.s32 $0x88, s3;
	s6 =	simm.s32 @!p1 $0x1082;
	[sflag:s4] =	ssyncset.s32 $0xFFFFF086  }
0x25: {  	[simem:s6], [sflag:s4] =	dma.local [hbm:s3], $0xF7A  }
0x26: {  	[smem:$0x3F9D] =	sst s1;
	(tag) =	ssettag s2;
	_ =	strace s9  }
0x27: {  	s1 =	sld [smem:$0x3FAD]  }
0x28: {  	s2 =	sld [smem:$0x3FAE]  }
0x29: {  	s4 =	sld [smem:$0x3FB0]  }
0x2a: {  	p0 =	seq.s32 s5, $0x0;
	s5 =	sld [smem:$0x3FB1]  }
0x2b: {  	s6 =	sld [smem:$0x3FB2]  }
0x2c: {  	s7 =	sld [smem:$0x3FB3]  }
0x2d: {  	s3 =	simm.s32 $0x108;
	s8 =	sld [smem:$0x3FB4]  }
0x2e: {  	s3 =	simm.s32 @!p0 $0x1082;
	s9 =	sld [smem:$0x3FB5]  }
0x2f: {  	lr =	sadd.s32 s0, s3;
	s0 =	sld [smem:$0x3FAC]  }
0x30: {  	s3 =	sld [smem:$0x3FAF]  }
0x31: {  	[smem:$0x3FB8] =	sst s10  }
0x32: {  	s10 =	sld [smem:$0x3FB6];
	_ =	sdelay $0x3  }
0x33: {  	p0 =	seq.s32 s10, $0x1;
	s10 =	sld [smem:$0x3FB8];
	_ =	sdelay $0x3  }
0x34: {  	[smem:$0x3FB8] =	sst s10  }
0x35: {  	s10 =	sld [smem:$0x3FB7];
	_ =	sdelay $0x3  }
0x36: {  	p1 =	seq.s32 s10, $0x1;
	s10 =	sld [smem:$0x3FB8];
	_ =	sdelay $0x3  }
0x37: {  	[smem:$0x3FB8] =	sst s10  }
0x38: {  	s10 =	sld [smem:$0x3FB9]  }
0x39: {  	_ = 	snop;
	(pc) =	sbr.ind lr, $3  }
0x3a: {  	_ = 	snop  }
0x3b: {  	_ = 	snop  }
0x3c: {  	p2 =	seq.s32 s10, $0x1;
	s10 =	sld [smem:$0x3FB8]  }
0x3d: {  	_ =	shalt  }
0x3e: {  	_ =	shalt  }
0x3f: {  	_ =	shalt  }
0x40: {  	_ =	shalt  }
0x41: {  	_ =	shalt  }
0x42: {  	_ =	shalt  }
0x43: {  	_ =	shalt  }
0x44: {  	_ =	shalt  }
0x45: {  	_ =	shalt  }
0x46: {  	_ =	shalt  }
0x47: {  	_ =	shalt  }
0x48: {  	_ =	shalt  }
0x49: {  	_ =	shalt  }
0x4a: {  	_ =	shalt  }
0x4b: {  	_ =	shalt  }
0x4c: {  	_ =	shalt  }
0x4d: {  	_ =	shalt  }
0x4e: {  	_ =	shalt  }
0x4f: {  	_ =	shalt  }
0x50: {  	_ =	shalt  }
0x51: {  	_ =	shalt  }
0x52: {  	_ =	shalt  }
0x53: {  	_ =	shalt  }
0x54: {  	_ =	shalt  }
0x55: {  	_ =	shalt  }
0x56: {  	_ =	shalt  }
0x57: {  	_ =	shalt  }
0x58: {  	_ =	shalt  }
0x59: {  	_ =	shalt  }
0x5a: {  	_ =	shalt  }
0x5b: {  	_ =	shalt  }
0x5c: {  	_ =	shalt  }
0x5d: {  	_ =	shalt  }
0x5e: {  	_ =	shalt  }
0x5f: {  	_ =	shalt  }
0x60: {  	_ =	shalt  }
0x61: {  	_ =	shalt  }
0x62: {  	_ =	shalt  }
0x63: {  	_ =	shalt  }
0x64: {  	_ =	shalt  }
0x65: {  	_ =	shalt  }
0x66: {  	_ =	shalt  }
0x67: {  	_ =	shalt  }
0x68: {  	_ =	shalt  }
0x69: {  	_ =	shalt  }
0x6a: {  	_ =	shalt  }
0x6b: {  	_ =	shalt  }
0x6c: {  	_ =	shalt  }
0x6d: {  	_ =	shalt  }
0x6e: {  	_ =	shalt  }
0x6f: {  	_ =	shalt  }
0x70: {  	_ =	shalt  }
0x71: {  	_ =	shalt  }
0x72: {  	_ =	shalt  }
0x73: {  	_ =	shalt  }
0x74: {  	_ =	shalt  }
0x75: {  	_ =	shalt  }
0x76: {  	_ =	shalt  }
0x77: {  	_ =	shalt  }
0x78: {  	_ =	shalt  }
0x79: {  	_ =	shalt  }
0x7a: {  	_ =	shalt  }
0x7b: {  	_ =	shalt  }
0x7c: {  	_ =	shalt  }
0x7d: {  	_ =	shalt  }
0x7e: {  	_ =	shalt  }
0x7f: {  	_ =	shalt  }
0x80: {  	_ =	shalt  }
0x81: {  	_ =	shalt  }
0x82: {  	_ =	shalt  }
0x83: {  	_ =	shalt  }
0x84: {  	_ =	shalt  }
0x85: {  	_ =	shalt  }
0x86: {  	_ =	shalt  }
0x87: {  	_ =	shalt  }
.Lfunc_end0:
.L_simem_size_0:
called_computation_lowered:
.L_overlay_start_0:
0x88: {  	s2 =	sld [smem:$0x3FD9]  }
0x89: {  	s3 =	sld [smem:$0x3FFE];
	_ =	sdelay $0x1  }
0x8a: {  	s1 =	srdreg.scid  }
0x8b: {  	s0 =	sand.u32 $0x1, s1  }
0x8c: {  	s17 =	sshll.u32 s0, $0xA;
	s2 =	sadd.s32 s3, s2  }
0x8d: {  	s2 =	sadd.s32 s2, s17  }
0x8e: {  	[smem:$0x3FC4] =	sst s2  }
0x8f: {  	_ = 	snop  }
0x90: {  	s2 =	sld [smem:$0x3FD0];
	(tm) =	ssettm $0x1  }
0x91: {  	s18 =	sld [smem:$0x3FFB];
	_ =	sdelay $0x3  }
0x92: {  	_ =	strace s18  }
0x93: {  	s3 =	sld [smem:$0x3FFC];
	_ =	sdelay $0x3  }
0x94: {  	_ =	strace s3  }
0x95: {  	s3 =	sld [smem:$0x3FFD];
	_ =	sdelay $0x3  }
0x96: {  	_ =	strace s3  }
0x97: {  	_ =	strace $0x8FFFFFFF  }
0x98: {  	s19 =	sld [smem:$0x3FDB];
	_ =	sdelay $0x1  }
0x99: {  	s4 =	simm.s32 $_scs_section_size  }
0x9a: {  	s5 =	simm.s32 $_size__tile_overlayer_lowered;
	s6 =	simm.s32 $_tile_overlayer_lowered  }
0x9b: {  	s22 =	simm.s32 $0x1BFF;
	s21 =	sshll.u32 s6, $0x1;
	s3 =	sadd.s32 s4, s19  }
0x9c: {  	s7 =	simm.s32 $0x0;
	s20 =	sshll.u32 s5, $0x1;
	s5 =	sadd.s32 s21, s3  }
0x9d: {  	[timem:s7], [sflag:s22] =	dma.local [hbm:s5], s20  }
0x9e: {  	_ =	swait.ge [sflag:s22], s20  }
0x9f: {  	s4 =	ssub.s32 $0x0, s20;
	[sflag:s22] =	ssyncset.done $0x0  }
0xa0: {  	[sflag:s22] =	ssyncadd.s32 s4;
	_ =	sdelay $0x1  }
0xa1: {  	s23 =	simm.s32 $0x1B8B  }
0xa2: {  	_ =	swait.ge [sflag:s23], $0x1  }
0xa3: {  	[sflag:s23] =	ssyncset.done $0x0  }
0xa4: {  	s25 =	simm.s32 $0x1B8E;
	s24 =	sld [smem:$0x3FFE];
	[sflag:s23] =	ssyncadd.s32 $0xFFFFFFFF  }
0xa5: {  	s26 =	simm.s32 $execute0_lowered;
	[smem:$0x3FD2] =	sst s25  }
0xa6: {  	s5 =	sshll.u32 s26, $0x1;
	_ =	strace $0x80000046;
	[dreg:$0x1] =	wrdreg $0xFFFFFFFF  }
0xa7: {  	s28 =	simm.s32 $_size_execute0_lowered;
	s3 =	sadd.s32 s3, s5;
	[dreg:$0x0] =	wrdreg $0x0  }
0xa8: {  	s5 =	sshll.u32 s28, $0x1;
	[dreg:$0x2] =	wrdreg s3  }
0xa9: {  	[dreg:$0x3] =	wrdreg s5  }
0xaa: {  	[dreg:$0x4] =	wrdreg $0xC0  }
0xab: {  	_ =	task [dreg:s7], $0x5FFFF  }
0xac: {  	[dreg:$0x1] =	wrdreg $0xFFFFFFFF  }
0xad: {  	[dreg:$0x0] =	wrdreg $0x60  }
0xae: {  	[dreg:$0x2] =	wrdreg s24  }
0xaf: {  	[dreg:$0x3] =	wrdreg s2  }
0xb0: {  	[dreg:$0x4] =	wrdreg $0x9  }
0xb1: {  	_ =	task.clear_ibuf [dreg:s7], $0x5FFFF;
	_ =	strace $0x90000046  }
0xb2: {  	s29 =	simm.s32 $0x9;
	_ =	strace $0x80000048  }
0xb3: {  	_ =	swait.ge [sflag:s29], $0x1  }
0xb4: {  	[sflag:s29] =	ssyncadd.s32 $0xFFFFFFFF  }
0xb5: {  	_ =	strace $0x90000048  }
0xb6: {  	_ =	sfence  }
0xb7: {  	s30 =	sld [smem:$0x0];
	_ =	sdelay $0x2  }
0xb8: {  	s31 =	sshll.u32 s1, $0xD;
	s1 =	sshrl.u32 s1, $0x2  }
0xb9: {  	s3 =	sand.u32 $0x4000, s31;
	s1 =	sadd.s32 s1, s30  }
0xba: {  	s0 =	sor.u32 s3, s0;
	s1 =	sshll.u32 s1, $0x11  }
0xbb: {  	s0 =	sor.u32 s1, s0  }
0xbc: {  	s0 =	sadd.s32 $0x8F2B, s0  }
0xbd: {  	[sflag:s0] =	ssyncadd.remote.s32 $0x1  }
0xbe: {  	_ =	sfence.sel $0xFFFF  }
0xbf: {  	[dreg:$0x0] =	wrdreg $0xFFFFFFFF;
	(pc) =	sbr.abs _section_cstart, $3  }
0xc0: {  	[dreg:$0x1] =	wrdreg $0xFFFFFFFF  }
0xc1: {  	_ =	task.clear_ibuf [dreg:s7], $0x2FFFF;
	_ =	strace $0x9FFFFFFF  }
0xc2: {  	(tm) =	ssettm $0x7FFFFFFF  }
0xc3: {  	_ =	shalt  }
tec
execute0_lowered:
.L_overlay_start_1:
0x0: {  	(tag) =	ssettag $0x1  }
0x1: {  	s2 =	rddreg [dreg:$0x0];
	s1 =	srdreg.scid  }
0x2: {  	s0 =	stileid.u32;
	s3 =	rddreg [dreg:$0x1];
	s11 =	simm.s32 $0x400  }
0x3: {  	s12 =	simm.s32 $0xC800;
	s13 =	simm.s32 $0xC900;
	s14 =	simm.s32 $0xC980  }
0x4: {  	s5 =	sand.u32 $0x1, s1;
	s4 =	sshll.u32 s0, $0x1;
	s1 =	rddreg [dreg:$0x2]  }
0x5: {  	s7 =	sshrl.u32 s0, $0x2;
	s6 =	sor.u32 s5, s4;
	s4 =	simm.s32 $0x0  }
0x6: {  	s9 =	sshll.u32 s7, $0xB;
	s7 =	sshll.u32 s7, $0xA;
	s5 =	ssub.s32 $0x2, s5  }
0x7: {  	v7 =	vimm.s32 $0x0;
	s8 =	sshll.u32 s6, $0x7;
	[smem:$0x7FF] =	sst s4;
	s31 =	sshrl.u32 s5, $0x1  }
0x8: {  	v8 =	vimm.s32 $0x1;
	v9 =	vimm.s32 $0x2;
	v10 =	vimm.s32 $0x3;
	s10 =	sshll.u32 s6, $0x3;
	s8 =	sand.u32 $0x380, s8;
	_ =	strace $0x80000047  }
0x9: {  	v11 =	vimm.s32 $0x4;
	v12 =	vimm.s32 $0x5;
	v13 =	vimm.s32 $0x6;
	s6 =	sand.u32 $0x80, s10;
	s15 =	sand.u32 $0x78, s10;
	s9 =	sor.u32 s9, s8  }
0xa: {  	v14 =	vimm.s32 $0x7;
	v27 =	vlaneseq.u32;
	vm0 =	vmmov $0xff;
	s10 =	simm.s32 $0x80;
	s7 =	sor.u32 s7, s8;
	s9 =	sshrl.u32 s9, $0x3  }
0xb: {  	vm1 =	vmmov $0x1;
	vm2 =	vcmask $0x320;
	v0 =	vmov s15;
	s15 =	simm.s32 $0x0;
	s7 =	sshrl.u32 s7, $0x3;
	s30 =	sadd.s32 s9, s2  }
0xc: {  	vm3 =	vcmask $0x720;
	vm4 =	vcmask $0xB20;
	vm5 =	vcmask $0xF20;
	s7 =	sadd.s32 s7, s2;
	s9 =	ssub.s32 s5, s31;
	s5 =	sadd.s32 $0x1800, s30  }
0xd: {  	vm6 =	vcmask $0x1320;
	vm7 =	vcmask $0x1720;
	vm8 =	vcmask $0x1B20;
	[tilespmem:$0x1FFF0] =	vst v0;
	s7 =	sadd.s32 $0x1C00, s7;
	s8 =	smax.u32 s9, $0x1;
	s9 =	simm.s32 $0x1  }
.LBB2_1:
0xe: {  	[tilespmem:s4], [sflag:$0x1] =	stream.linear.gather [hbm4b:s2+s4], $0xC000, $0x38;
	[tilespmem:$0xCA00] =	vst v63  }
0xf: {  	_ =	swait.ge [sflag:s9], $0xC000  }
0x10: {  	[sflag:s9] =	ssyncset.done $0x0  }
0x11: {  	[sflag:s9] =	ssyncadd.s32 $0xFFFF4000  }
0x12: {  	[tilespmem:s12], [sflag:$0x1] =	stream.strided.gather [hbm4b:s5+s10], $0x100, s11, s10, $0x38;
	[tilespmem:$0xCA00] =	vst v63  }
0x13: {  	_ =	swait.ge [sflag:s9], $0x100  }
0x14: {  	[sflag:s9] =	ssyncset.done $0x0  }
0x15: {  	[sflag:s9] =	ssyncadd.s32 $0xFFFFFF00  }
0x16: {  	[tilespmem:s13], [sflag:$0x1] =	stream.linear.gather [hbm4b:s3+s4], $0x80, $0x38;
	[tilespmem:$0xCA00] =	vst v63  }
0x17: {  	_ =	swait.ge [sflag:s9], $0x80  }
0x18: {  	[sflag:s9] =	ssyncset.done $0x0  }
0x19: {  	v0 =	vimm.f32 $0.0e+00;
	s16 =	simm.s32 $0x0;
	[sflag:s9] =	ssyncadd.s32 $0xFFFFFF80  }
.LBB2_2:
0x1a: {  	s17 =	smul.u32 $0x6000, s16  }
0x1b: {  	s19 =	simm.s32 $0x0  }
0x1c: {  	s20 =	sand.u32 $0x780, s19;
	s17 =	sshra.s32 s17, $0x2  }
0x1d: {  	s21 =	sand.u32 $0x40, s19;
	s18 =	sadd.s32 $0x800, s17;
	s22 =	sadd.s32 s20, s17  }
0x1e: {  	s23 =	sadd.s32 s20, s18;
	s24 =	sadd.s32 s21, s22  }
0x1f: {  	[tilespmem:$0x1FFE0] =	vst v0;
	s19 =	sadd.s32 $0x1000, s17;
	s25 =	sadd.s32 s21, s23;
	v0 =	vld [tilespmem:s24+$0x0]  }
0x20: {  	s24 =	sadd.s32 s20, s19;
	v1 =	vld [tilespmem:s25+$0x0]  }
0x21: {  	s20 =	sadd.s32 s21, s24  }
0x22: {  	v2 =	vld [tilespmem:s20+$0x0];
	_ =	sdelay $0x2  }
0x23: {  	v0 =	vmul.f32 v0, v0;
	v1 =	vmul.f32 v1, v1;
	_ =	sdelay $0x1  }
0x24: {  	v0 =	vadd.f32 v1, v0;
	v1 =	vmul.f32 v2, v2  }
0x25: {  	s28 =	sshll.u32 s16, $0x4  }
0x26: {  	s29 =	simm.s32 $0x10;
	s20 =	sand.u32 $0x3FFFFFF0, s28;
	v0 =	vadd.f32 v1, v0  }
0x27: {  	s21 =	sand.u32 $0x50, s29;
	v1 =	vld [tilespmem:s20+$0xC900];
	s20 =	simm.s32 $0xC020  }
0x28: {  	s30 =	sadd.s32 s21, s22;
	[tilespmem:s20+$0xFFFFFFE0] =	vst v0  }
0x29: {  	s31 =	sadd.s32 s21, s23;
	v0 =	vld [tilespmem:s30+$0x0]  }
0x2a: {  	v2 =	vld [tilespmem:s31+$0x0]  }
0x2b: {  	s21 =	sadd.s32 s21, s24  }
0x2c: {  	v3 =	vld [tilespmem:s21+$0x0];
	_ =	sdelay $0x2  }
0x2d: {  	v0 =	vmul.f32 v0, v0;
	v2 =	vmul.f32 v2, v2;
	_ =	sdelay $0x1  }
0x2e: {  	v0 =	vadd.f32 v2, v0;
	v2 =	vmul.f32 v3, v3;
	_ =	sdelay $0x1  }
0x2f: {  	s26 =	simm.s32 $0x20;
	v0 =	vadd.f32 v2, v0  }
0x30: {  	s21 =	sand.u32 $0x60, s26  }
0x31: {  	s28 =	sadd.s32 s21, s22;
	[tilespmem:s20+$0xFFFFFFF0] =	vst v0  }
0x32: {  	s29 =	sadd.s32 s21, s23;
	v0 =	vld [tilespmem:s28+$0x0]  }
0x33: {  	v2 =	vld [tilespmem:s29+$0x0]  }
0x34: {  	s21 =	sadd.s32 s21, s24  }
0x35: {  	v3 =	vld [tilespmem:s21+$0x0];
	_ =	sdelay $0x2  }
0x36: {  	v0 =	vmul.f32 v0, v0;
	v2 =	vmul.f32 v2, v2;
	_ =	sdelay $0x1  }
0x37: {  	v0 =	vadd.f32 v2, v0;
	v2 =	vmul.f32 v3, v3;
	_ =	sdelay $0x1  }
0x38: {  	s30 =	simm.s32 $0x30;
	v0 =	vadd.f32 v2, v0  }
0x39: {  	v19 =	vperm.xlane v1, v7;
	v20 =	vperm.xlane v1, v8;
	s21 =	sand.u32 $0x70, s30  }
0x3a: {  	v17 =	vperm.xlane v1, v9;
	v15 =	vperm.xlane v1, v10;
	s22 =	sadd.s32 s21, s22;
	v3 =	vimm.s32 $0x8;
	[tilespmem:s20+$0x0] =	vst v0  }
0x3b: {  	v23 =	vperm.xlane v1, v11;
	s31 =	sadd.s32 s21, s23;
	v25 =	vperm.xlane v1, v3;
	v3 =	vimm.s32 $0x9;
	v0 =	vld [tilespmem:s22+$0x0]  }
0x3c: {  	v24 =	vperm.xlane v1, v12;
	v26 =	vperm.xlane v1, v3;
	v3 =	vimm.s32 $0xA;
	v2 =	vld [tilespmem:s31+$0x0]  }
0x3d: {  	v21 =	vperm.xlane v1, v13;
	s21 =	sadd.s32 s21, s24;
	v22 =	vperm.xlane v1, v3;
	v3 =	vimm.s32 $0xB  }
0x3e: {  	v16 =	vperm.xlane v1, v14;
	v18 =	vperm.xlane v1, v3;
	v1 =	vld [tilespmem:s21+$0x0];
	_ =	sdelay $0x2  }
0x3f: {  	s22 =	simm.s32 $0x40;
	s21 =	simm.s32 $0xC020;
	v0 =	vmul.f32 v0, v0;
	v2 =	vmul.f32 v2, v2  }
.LBB2_3:
0x40: {  	p0 =	sne.s32 s22, $0x7C0  }
0x41: {  	v1 =	vmul.f32 v1, v1;
	s20 =	sadd.s32 $0x40, s20;
	s23 =	smov.u32 s22;
	s22 =	sadd.s32 $0x40, s22  }
0x42: {  	v0 =	vadd.f32 v2, v0  }
0x43: {  	s26 =	sand.u32 $0x780, s23  }
0x44: {  	s28 =	sand.u32 $0x40, s23;
	s25 =	sadd.s32 s26, s17;
	s24 =	sadd.s32 s26, s18;
	v0 =	vadd.f32 v1, v0  }
0x45: {  	s26 =	sadd.s32 s26, s19;
	s29 =	sadd.s32 s28, s25;
	s30 =	sadd.s32 s28, s24  }
0x46: {  	s28 =	sadd.s32 s28, s26;
	[tilespmem:s21+$0x10] =	vst v0;
	s21 =	smov.u32 s20  }
0x47: {  	v0 =	vld [tilespmem:s29+$0x0]  }
0x48: {  	v1 =	vld [tilespmem:s30+$0x0];
	_ =	sdelay $0x1  }
0x49: {  	v2 =	vld [tilespmem:s28+$0x0];
	_ =	sdelay $0x2  }
0x4a: {  	v0 =	vmul.f32 v0, v0;
	v1 =	vmul.f32 v1, v1;
	_ =	sdelay $0x1  }
0x4b: {  	v0 =	vadd.f32 v1, v0;
	v1 =	vmul.f32 v2, v2;
	_ =	sdelay $0x1  }
0x4c: {  	s28 =	sadd.s32 $0x10, s23;
	v0 =	vadd.f32 v1, v0  }
0x4d: {  	s28 =	sand.u32 $0x50, s28  }
0x4e: {  	s29 =	sadd.s32 s28, s25;
	s30 =	sadd.s32 s28, s26;
	[tilespmem:s20+$0xFFFFFFE0] =	vst v0  }
0x4f: {  	s28 =	sadd.s32 s28, s24;
	v0 =	vld [tilespmem:s29+$0x0]  }
0x50: {  	v1 =	vld [tilespmem:s28+$0x0];
	_ =	sdelay $0x1  }
0x51: {  	v2 =	vld [tilespmem:s30+$0x0];
	_ =	sdelay $0x2  }
0x52: {  	v0 =	vmul.f32 v0, v0;
	v1 =	vmul.f32 v1, v1;
	_ =	sdelay $0x1  }
0x53: {  	v0 =	vadd.f32 v1, v0;
	v1 =	vmul.f32 v2, v2;
	_ =	sdelay $0x1  }
0x54: {  	s28 =	sadd.s32 $0x20, s23;
	v0 =	vadd.f32 v1, v0  }
0x55: {  	s28 =	sand.u32 $0x60, s28  }
0x56: {  	s29 =	sadd.s32 s28, s25;
	s30 =	sadd.s32 s28, s26;
	[tilespmem:s20+$0xFFFFFFF0] =	vst v0  }
0x57: {  	s28 =	sadd.s32 s28, s24;
	v0 =	vld [tilespmem:s29+$0x0]  }
0x58: {  	v1 =	vld [tilespmem:s28+$0x0];
	_ =	sdelay $0x1  }
0x59: {  	v2 =	vld [tilespmem:s30+$0x0];
	_ =	sdelay $0x1  }
0x5a: {  	v0 =	vmul.f32 v0, v0  }
0x5b: {  	v1 =	vmul.f32 v1, v1;
	_ =	sdelay $0x1  }
0x5c: {  	v0 =	vadd.f32 v1, v0;
	v1 =	vmul.f32 v2, v2;
	_ =	sdelay $0x1  }
0x5d: {  	s23 =	sadd.s32 $0x30, s23;
	v0 =	vadd.f32 v1, v0  }
0x5e: {  	s23 =	sand.u32 $0x70, s23  }
0x5f: {  	s25 =	sadd.s32 s23, s25;
	[tilespmem:s20+$0x0] =	vst v0  }
0x60: {  	s24 =	sadd.s32 s23, s24;
	v0 =	vld [tilespmem:s25+$0x0]  }
0x61: {  	s23 =	sadd.s32 s23, s26;
	v2 =	vld [tilespmem:s24+$0x0]  }
.Ltmp0:
0x62: {  	v1 =	vld [tilespmem:s23+$0x0];
	(pc) =	sbr.rel @p0 .LBB2_3-.Ltmp0, $3  }
0x63: {  	_ =	sdelay $0x1  }
0x64: {  	v0 =	vmul.f32 v0, v0  }
0x65: {  	v2 =	vmul.f32 v2, v2  }
0x66: {  	_ = 	snop  }
0x67: {  	v1 =	vmul.f32 v1, v1;
	v0 =	vadd.f32 v2, v0;
	_ =	sdelay $0x1  }
0x68: {  	s20 =	smul.u32 $0x60, s16;
	v0 =	vadd.f32 v1, v0;
	_ =	sdelay $0x1  }
0x69: {  	s20 =	sshra.s32 s20, $0x2;
	[tilespmem:s21+$0x10] =	vst v0  }
0x6a: {  	v0 =	vld [tilespmem:s20+$0xC800]  }
0x6b: {  	v1 =	vld [tilespmem:s20+$0xC808];
	_ =	sdelay $0x1  }
0x6c: {  	v2 =	vld [tilespmem:s20+$0xC810];
	_ =	sdelay $0x1  }
0x6d: {  	v3 =	vmul.f32 v0, v19  }
0x6e: {  	v4 =	vmul.f32 v1, v20;
	v5 =	vmul.f32 v0, v23  }
0x6f: {  	v6 =	vmul.f32 v1, v24;
	v0 =	vmul.f32 v0, v25  }
0x70: {  	v1 =	vmul.f32 v1, v26;
	v3 =	vadd.f32 v4, v3;
	v4 =	vmul.f32 v2, v17  }
0x71: {  	v5 =	vadd.f32 v6, v5;
	v6 =	vmul.f32 v2, v21  }
0x72: {  	v0 =	vadd.f32 v1, v0;
	v1 =	vmul.f32 v2, v22;
	v2 =	vadd.f32 v4, v3  }
0x73: {  	v4 =	vadd.f32 v6, v5  }
0x74: {  	v0 =	vadd.f32 v1, v0;
	v6 =	vadd.f32 v2, v15  }
0x75: {  	v20 =	vld [tilespmem:$0x1FFF0];
	v4 =	vadd.f32 v4, v16  }
0x76: {  	v5 =	vadd.f32 v0, v18;
	v0 =	vmul.f32 $-2.000000000e+00, v6  }
0x77: {  	[tilespmem:$0x1FF50] =	vst v4;
	v4 =	vmul.f32 $-2.000000000e+00, v4  }
0x78: {  	[tilespmem:$0x1FF60] =	vst v5;
	v5 =	vmul.f32 $-2.000000000e+00, v5;
	v15 =	vperm.xlane v0, v7  }
0x79: {  	v21 =	vperm.xlane v0, v8;
	v22 =	vperm.xlane v0, v9  }
0x7a: {  	v19 =	vperm.xlane v0, v10;
	v25 =	vperm.xlane v0, v11  }
0x7b: {  	v26 =	vperm.xlane v0, v12;
	v28 =	vperm.xlane v0, v14  }
0x7c: {  	s22 =	sadd.s32 s6, s17;
	s23 =	sadd.s32 s6, s18;
	s25 =	simm.s32 $0x0;
	v29 =	vperm.xlane v4, v7;
	v30 =	vperm.xlane v4, v8  }
0x7d: {  	s24 =	sadd.s32 s6, s19;
	s26 =	sand.u32 $0x780, s25;
	v3 =	vld.idx.msk [tilespmem:v20+s22+$0x0 ss:$0x1], $0xffff;
	s22 =	simm.s32 $0x10;
	v31 =	vperm.xlane v4, v9;
	v32 =	vperm.xlane v4, v10  }
0x7e: {  	s20 =	sand.u32 $0x60, s25;
	s25 =	sadd.s32 s26, s19;
	v1 =	vld.idx.msk [tilespmem:v20+s23+$0x0 ss:$0x1], $0xffff;
	s22 =	sand.u32 $0x70, s22;
	v33 =	vperm.xlane v4, v11;
	v34 =	vperm.xlane v4, v12  }
0x7f: {  	v2 =	vld.idx.msk [tilespmem:v20+s24+$0x0 ss:$0x1], $0xffff;
	v35 =	vperm.xlane v4, v13;
	s28 =	sadd.s32 s22, s25;
	v36 =	vperm.xlane v4, v14  }
0x80: {  	v38 =	vperm.xlane v5, v7;
	s25 =	sadd.s32 s20, s25;
	v37 =	vperm.xlane v5, v8;
	v39 =	vld [tilespmem:s28+$0x0]  }
0x81: {  	[tilespmem:$0x1FF40] =	vst v6;
	v40 =	vperm.xlane v5, v9;
	v41 =	vperm.xlane v5, v10;
	v6 =	vld [tilespmem:s25+$0x0]  }
0x82: {  	v42 =	vperm.xlane v5, v11;
	v43 =	vperm.xlane v5, v12  }
0x83: {  	s23 =	sadd.s32 s26, s17;
	v44 =	vperm.xlane v5, v13;
	v1 =	vperm.xlane v1, v27  }
0x84: {  	s21 =	sadd.s32 s26, s18;
	v45 =	vperm.xlane v5, v14;
	s29 =	sadd.s32 s22, s23;
	v3 =	vperm.xlane v3, v27  }
0x85: {  	s30 =	sadd.s32 s22, s21;
	v10 =	vld [tilespmem:s29+$0x0];
	[tilespmem:$0x1FF80] =	vst v1;
	v1 =	vperm.xlane v2, v27;
	v27 =	vperm.xlane v0, v13  }
0x86: {  	v52 =	vld [tilespmem:s30+$0x0];
	v5 =	vmul.f32 v39, v44;
	v48 =	vmul.f32 v6, v42  }
0x87: {  	v7 =	vmul.f32 v39, v42;
	v9 =	vmul.f32 v6, v37  }
0x88: {  	s24 =	sadd.s32 s20, s23;
	v54 =	vmul.f32 v6, v41;
	v56 =	vmul.f32 v6, v43  }
0x89: {  	v0 =	vld [tilespmem:s24+$0x0];
	v58 =	vmul.f32 v6, v44;
	v50 =	vmul.f32 v39, v43  }
0x8a: {  	v60 =	vmul.f32 v10, v22;
	v61 =	vmul.f32 v39, v41  }
0x8b: {  	v57 =	vmul.f32 v10, v21;
	v23 =	vmul.f32 v52, v32  }
0x8c: {  	s20 =	sadd.s32 s20, s21;
	v62 =	vmul.f32 v10, v25;
	v18 =	vmul.f32 v52, v33  }
0x8d: {  	v20 =	vmul.f32 v52, v35;
	v13 =	vmul.f32 v52, v36;
	[tilespmem:$0x1FF90] =	vst v1;
	v1 =	vld [tilespmem:s20+$0x0]  }
0x8e: {  	[tilespmem:$0x1FF70] =	vst v3;
	v2 =	vmul.f32 v0, v21;
	v3 =	vmul.f32 v0, v27  }
0x8f: {  	v4 =	vmul.f32 v0, v15;
	v51 =	vmul.f32 v0, v25  }
0x90: {  	v49 =	vmul.f32 v0, v28;
	v11 =	vmul.f32 v0, v19  }
0x91: {  	v53 =	vmul.f32 v0, v26;
	v12 =	vmul.f32 v0, v22  }
0x92: {  	v0 =	vmul.f32 v10, v27;
	v8 =	vmul.f32 v1, v29  }
0x93: {  	v46 =	vimm.f32 $3.000000010e+38;
	s31 =	simm.s32 $0xC010;
	v55 =	vmul.f32 v1, v30;
	v63 =	vmul.f32 v1, v32  }
0x94: {  	v47 =	vld [tilespmem:s31+$0xFFFFFFF0];
	[tilespmem:$0x1FFB0] =	vst v22;
	v0 =	vadd.f32 v20, v0;
	v22 =	vmul.f32 v1, v33;
	v4 =	vadd.f32 v8, v4  }
0x95: {  	v8 =	vmul.f32 v1, v35;
	v2 =	vadd.f32 v55, v2;
	v11 =	vadd.f32 v63, v11  }
0x96: {  	v0 =	vadd.f32 v5, v0;
	v5 =	vmul.f32 v10, v19;
	v63 =	vmul.f32 v52, v30  }
0x97: {  	v3 =	vadd.f32 v8, v3;
	v2 =	vadd.f32 v9, v2;
	v8 =	vmul.f32 v1, v34  }
0x98: {  	v55 =	vimm.f32 $3.000000010e+38;
	v9 =	vmul.f32 v52, v29;
	v23 =	vadd.f32 v23, v5  }
0x99: {  	v59 =	vadd.f32 v2, v47;
	v2 =	vadd.f32 v8, v53;
	v8 =	vmul.f32 v10, v15  }
0x9a: {  	v5 =	vmul.f32 v39, v38;
	v3 =	vadd.f32 v58, v3;
	v58 =	vadd.f32 v18, v62  }
0x9b: {  	[tilespmem:$0x1FFA0] =	vst v21;
	v62 =	vmul.f32 v10, v28;
	v53 =	vld [tilespmem:s31+$0x0];
	v56 =	vadd.f32 v56, v2;
	v21 =	vadd.f32 v9, v8  }
0x9c: {  	v2 =	vmul.f32 v52, v31;
	v3 =	vadd.f32 v3, v47;
	v7 =	vadd.f32 v7, v58  }
0x9d: {  	v8 =	vadd.f32 v54, v11;
	v52 =	vmul.f32 v52, v34;
	v11 =	vmul.f32 v6, v45  }
0x9e: {  	v13 =	vadd.f32 v13, v62;
	v62 =	vmul.f32 v39, v45;
	v58 =	vimm.f32 $3.000000010e+38  }
0x9f: {  	v54 =	vimm.f32 $3.000000010e+38;
	v9 =	vadd.f32 v2, v60;
	v2 =	vmul.f32 v1, v36  }
0xa0: {  	v3 =	vmin.f32 v46, v3;
	v0 =	vadd.f32 v0, v53;
	v60 =	vadd.f32 v7, v53  }
0xa1: {  	v7 =	vmul.f32 v10, v26;
	v10 =	vadd.f32 v5, v21;
	v2 =	vadd.f32 v2, v49  }
0xa2: {  	v49 =	vmin.f32 v3, v0;
	v3 =	vmul.f32 v6, v38;
	v0 =	vadd.f32 v8, v47  }
0xa3: {  	v5 =	vmul.f32 v39, v40;
	v8 =	vadd.f32 v52, v7;
	v7 =	vadd.f32 v61, v23  }
0xa4: {  	v6 =	vmul.f32 v6, v40;
	v3 =	vadd.f32 v3, v4;
	v4 =	vmul.f32 v1, v31  }
0xa5: {  	[tilespmem:$0x1FFC0] =	vst v15;
	v61 =	vimm.f32 $3.000000010e+38;
	v52 =	vimm.f32 $3.000000010e+38;
	v1 =	vadd.f32 v62, v13  }
0xa6: {  	s21 =	simm.s32 $0xC030;
	[tilespmem:$0x1FFD0] =	vst v19;
	s20 =	simm.s32 $0x20;
	v62 =	vadd.f32 v22, v51;
	v51 =	vimm.f32 $3.000000010e+38;
	v4 =	vadd.f32 v4, v12  }
.LBB2_5:
0xa7: {  	s22 =	sand.u32 $0x780, s20;
	s23 =	sand.u32 $0x60, s20;
	s24 =	sadd.s32 $0x10, s20;
	v22 =	vadd.f32 v56, v47;
	v2 =	vadd.f32 v11, v2  }
0xa8: {  	v14 =	vld [tilespmem:$0x1FFA0];
	v7 =	vadd.f32 v7, v53;
	s25 =	sadd.s32 s22, s17;
	s26 =	sadd.s32 s22, s18;
	s24 =	sand.u32 $0x70, s24;
	v5 =	vadd.f32 v5, v9  }
0xa9: {  	v0 =	vmin.f32 v46, v0;
	v17 =	vld [tilespmem:$0x1FFC0];
	v1 =	vadd.f32 v1, v53;
	s22 =	sadd.s32 s22, s19;
	v3 =	vadd.f32 v3, v47;
	s28 =	sadd.s32 s23, s25;
	s29 =	sadd.s32 s23, s26  }
0xaa: {  	v4 =	vadd.f32 v6, v4;
	v6 =	vadd.f32 v48, v62;
	s25 =	sadd.s32 s24, s25;
	s26 =	sadd.s32 s24, s26;
	s24 =	sadd.s32 s24, s22;
	v46 =	vmin.f32 v0, v7;
	v0 =	vld [tilespmem:s28+$0x0]  }
0xab: {  	v9 =	vmul.f32 v39, v37;
	v11 =	vmin.f32 v61, v59;
	v8 =	vadd.f32 v50, v8;
	s22 =	sadd.s32 s23, s22;
	v39 =	vld [tilespmem:s24+$0x0]  }
0xac: {  	v10 =	vadd.f32 v10, v53;
	v54 =	vmin.f32 v54, v22;
	v4 =	vadd.f32 v4, v47;
	v62 =	vld [tilespmem:s22+$0x0]  }
0xad: {  	v7 =	vadd.f32 v63, v57;
	v3 =	vmin.f32 v58, v3;
	v5 =	vadd.f32 v5, v53;
	v12 =	vld [tilespmem:s29+$0x0]  }
0xae: {  	v8 =	vadd.f32 v8, v53;
	v58 =	vmin.f32 v3, v10;
	v4 =	vmin.f32 v52, v4  }
0xaf: {  	v24 =	vld [tilespmem:$0x1FFD0];
	v52 =	vmin.f32 v4, v5;
	v4 =	vmul.f32 v0, v14;
	v5 =	vmul.f32 v0, v27  }
0xb0: {  	v7 =	vadd.f32 v9, v7;
	v3 =	vmul.f32 v0, v17;
	v10 =	vmul.f32 v39, v44  }
0xb1: {  	v6 =	vadd.f32 v6, v47;
	v48 =	vmul.f32 v62, v42;
	v18 =	vmul.f32 v39, v42  }
0xb2: {  	v13 =	vld [tilespmem:s25+$0x0];
	v7 =	vadd.f32 v7, v53;
	v15 =	vmul.f32 v12, v29;
	v53 =	vmul.f32 v62, v37  }
0xb3: {  	v2 =	vadd.f32 v2, v47;
	v19 =	vmul.f32 v0, v25;
	v20 =	vmul.f32 v0, v28  }
0xb4: {  	v6 =	vmin.f32 v51, v6;
	v23 =	vmul.f32 v0, v24;
	v63 =	vmul.f32 v0, v26  }
0xb5: {  	v9 =	vld [tilespmem:s26+$0x0];
	v51 =	vmin.f32 v6, v60;
	v6 =	vmul.f32 v62, v41;
	v21 =	vmul.f32 v12, v30  }
0xb6: {  	v2 =	vmin.f32 v55, v2;
	v60 =	vmul.f32 v62, v43;
	v50 =	vmul.f32 v39, v43  }
0xb7: {  	v54 =	vmin.f32 v54, v8;
	v57 =	vmul.f32 v13, v14;
	v8 =	vmul.f32 v12, v35  }
0xb8: {  	v55 =	vmin.f32 v2, v1;
	v16 =	vmul.f32 v13, v28;
	v24 =	vmul.f32 v13, v24  }
0xb9: {  	v61 =	vmin.f32 v11, v7;
	v7 =	vmul.f32 v62, v44;
	v11 =	vmul.f32 v13, v25  }
0xba: {  	v47 =	vld [tilespmem:s21+$0xFFFFFFF0];
	v1 =	vadd.f32 v21, v4;
	v4 =	vmul.f32 v39, v41;
	v14 =	vmul.f32 v9, v32  }
0xbb: {  	v5 =	vadd.f32 v8, v5;
	v8 =	vmul.f32 v9, v29;
	v21 =	vmul.f32 v9, v31  }
0xbc: {  	v3 =	vadd.f32 v15, v3;
	v15 =	vld [tilespmem:$0x1FFB0];
	v56 =	vmul.f32 v9, v33;
	v22 =	vmul.f32 v9, v35  }
0xbd: {  	v1 =	vadd.f32 v53, v1;
	v53 =	vmul.f32 v12, v34;
	v5 =	vadd.f32 v7, v5  }
0xbe: {  	v7 =	vmul.f32 v13, v17;
	v17 =	vmul.f32 v9, v36;
	v11 =	vadd.f32 v56, v11  }
0xbf: {  	v59 =	vadd.f32 v1, v47;
	v1 =	vmul.f32 v12, v32;
	v63 =	vadd.f32 v53, v63  }
0xc0: {  	v7 =	vadd.f32 v8, v7;
	v8 =	vadd.f32 v18, v11;
	v18 =	vmul.f32 v9, v34  }
0xc1: {  	v5 =	vadd.f32 v5, v47;
	v53 =	vld [tilespmem:s21+$0x0];
	v11 =	vmul.f32 v62, v45;
	v2 =	vmul.f32 v13, v15  }
0xc2: {  	v15 =	vmul.f32 v0, v15;
	v0 =	vmul.f32 v13, v27;
	v1 =	vadd.f32 v1, v23  }
0xc3: {  	v23 =	vmul.f32 v12, v33;
	v56 =	vadd.f32 v60, v63;
	v63 =	vmul.f32 v9, v30  }
0xc4: {  	v0 =	vadd.f32 v22, v0;
	v22 =	vmul.f32 v12, v36;
	v9 =	vadd.f32 v21, v2  }
0xc5: {  	v21 =	vmul.f32 v62, v38;
	v1 =	vadd.f32 v6, v1;
	v6 =	vadd.f32 v14, v24  }
0xc6: {  	v0 =	vadd.f32 v10, v0;
	v10 =	vmul.f32 v39, v38;
	v60 =	vadd.f32 v8, v53  }
0xc7: {  	p0 =	sne.s32 s20, $0x7E0;
	v8 =	vmul.f32 v13, v26;
	v2 =	vadd.f32 v22, v20;
	v22 =	vadd.f32 v17, v16  }
.Ltmp1:
0xc8: {  	v5 =	vmin.f32 v49, v5;
	v3 =	vadd.f32 v21, v3;
	v0 =	vadd.f32 v0, v53;
	(pc) =	sbr.rel @p0 .LBB2_5-.Ltmp1, $4  }
0xc9: {  	v12 =	vmul.f32 v12, v31;
	v8 =	vadd.f32 v18, v8;
	v10 =	vadd.f32 v10, v7  }
0xca: {  	v49 =	vmin.f32 v5, v0;
	v0 =	vadd.f32 v1, v47;
	v1 =	vmul.f32 v39, v45  }
0xcb: {  	v7 =	vadd.f32 v4, v6;
	v4 =	vadd.f32 v12, v15;
	v6 =	vmul.f32 v62, v40  }
0xcc: {  	s20 =	sadd.s32 $0x20, s20;
	s21 =	sadd.s32 $0x20, s21;
	v62 =	vadd.f32 v23, v19;
	v5 =	vmul.f32 v39, v40;
	v1 =	vadd.f32 v1, v22  }
0xcd: {  	v2 =	vadd.f32 v11, v2;
	v7 =	vadd.f32 v7, v53  }
0xce: {  	v11 =	vadd.f32 v63, v57;
	v12 =	vmul.f32 v39, v37;
	v3 =	vadd.f32 v3, v47  }
0xcf: {  	v4 =	vadd.f32 v6, v4;
	v10 =	vadd.f32 v10, v53  }
0xd0: {  	v8 =	vadd.f32 v50, v8;
	v0 =	vmin.f32 v46, v0;
	v6 =	vadd.f32 v12, v11  }
0xd1: {  	v5 =	vadd.f32 v5, v9;
	v9 =	vadd.f32 v48, v62;
	v11 =	vmin.f32 v61, v59  }
0xd2: {  	v4 =	vadd.f32 v4, v47;
	v3 =	vmin.f32 v58, v3;
	v6 =	vadd.f32 v6, v53  }
0xd3: {  	v0 =	vmin.f32 v0, v7;
	v7 =	vld [tilespmem:$0x1FF40];
	v5 =	vadd.f32 v5, v53;
	v3 =	vmin.f32 v3, v10  }
0xd4: {  	v9 =	vadd.f32 v9, v47;
	v10 =	vld [tilespmem:$0x1FF70];
	v4 =	vmin.f32 v52, v4;
	(xrf0) =	vmin.scan.msk.f32 $0xffff, v3;
	v6 =	vmin.f32 v11, v6  }
0xd5: {  	v3 =	vmin.f32 v4, v5;
	v4 =	vadd.f32 v56, v47;
	(xrf0) =	vmin.scan.msk.f32 $0xffff, v6  }
0xd6: {  	v5 =	vadd.f32 v8, v53;
	v8 =	vld [tilespmem:$0x1FF50];
	v6 =	vmin.f32 v51, v9;
	(xrf0) =	vmin.scan.msk.f32 $0xffff, v3  }
0xd7: {  	v2 =	vadd.f32 v2, v47;
	v4 =	vmin.f32 v54, v4;
	v3 =	vmin.f32 v6, v60;
	(xrf0) =	vmin.scan.msk.f32 $0xffff, v0  }
0xd8: {  	v0 =	vadd.f32 v1, v53;
	v1 =	vmin.f32 v4, v5;
	(xrf0) =	vmin.scan.msk.f32 $0xffff, v3  }
0xd9: {  	v2 =	vmin.f32 v55, v2;
	(xrf0) =	vmin.scan.msk.f32 $0xffff, v1;
	v1 =	vmul.f32 v7, v7;
	v7 =	vsub.f32 v7, v10;
	v10 =	vld [tilespmem:$0x1FF80]  }
0xda: {  	v0 =	vmin.f32 v2, v0  }
0xdb: {  	v9 =	vld [tilespmem:$0x1FF60];
	v2 =	vmul.f32 v8, v8;
	v3, _, _ =	vpop (xrf0);
	(xrf0) =	vmin.scan.msk.f32 $0xffff, v49  }
0xdc: {  	v3 =	vbroadcast v3, $0xF;
	v4, _, _ =	vpop (xrf0);
	(xrf0) =	vmin.scan.msk.f32 $0xffff, v0  }
0xdd: {  	v1 =	vadd.f32 v2, v1;
	v0, _, _ =	vpop (xrf0);
	v2 =	vbroadcast v4, $0xF  }
0xde: {  	v3 =	vnsel vm1, $0x7F61B1E6, v3;
	v4, _, _ =	vpop (xrf0);
	v0 =	vbroadcast v0, $0xF;
	v8 =	vsub.f32 v8, v10;
	v10 =	vld [tilespmem:$0x1FF90]  }
0xdf: {  	v6, _, _ =	vpop (xrf0);
	v2 =	vsel vm2, v3, v2;
	v3 =	vbroadcast v4, $0xF  }
0xe0: {  	v5 =	vmul.f32 v9, v9;
	v4, _, _ =	vpop (xrf0);
	v0 =	vsel vm3, v2, v0;
	v2 =	vbroadcast v6, $0xF  }
0xe1: {  	v6, _, _ =	vpop (xrf0);
	v0 =	vsel vm4, v0, v3;
	v3 =	vbroadcast v4, $0xF;
	v4 =	vmul.f32 v7, v7  }
0xe2: {  	v7 =	vmul.f32 v8, v8;
	v0 =	vsel vm5, v0, v2;
	v2 =	vbroadcast v6, $0xF;
	v6, _, _ =	vpop (xrf0)  }
0xe3: {  	v0 =	vsel vm6, v0, v3;
	v3 =	vbroadcast v6, $0xF;
	v9 =	vsub.f32 v9, v10  }
0xe4: {  	v1 =	vadd.f32 v1, v5;
	v0 =	vsel vm7, v0, v2  }
0xe5: {  	v2 =	vadd.f32 v7, v4;
	v0 =	vsel vm8, v0, v3;
	v4 =	vmul.f32 v9, v9  }
0xe6: {  	v0 =	vadd.f32 v0, v1  }
0xe7: {  	v1 =	vadd.f32 v4, v2  }
0xe8: {  	v2 =	vmax.f32 v0, $1.000000000e-30  }
0xe9: {  	v4 =	vshra.s32 v2, $0x1;
	v2 =	vmul.f32 $5.000000000e-01, v2;
	v3 =	vmax.f32 v1, $1.000000000e-30  }
0xea: {  	v4 =	vsub.s32 $0x5F3759DF, v4;
	v5 =	vshra.s32 v3, $0x1;
	v3 =	vmul.f32 $5.000000000e-01, v3  }
0xeb: {  	v6 =	vmul.f32 v4, v2;
	v5 =	vsub.s32 $0x5F3759DF, v5  }
0xec: {  	v7 =	vmul.f32 v5, v3  }
0xed: {  	v6 =	vmul.f32 v4, v6  }
0xee: {  	v7 =	vmul.f32 v5, v7  }
0xef: {  	v6 =	vsub.f32 $1.500000000e+00, v6  }
0xf0: {  	v7 =	vsub.f32 $1.500000000e+00, v7  }
0xf1: {  	v4 =	vmul.f32 v4, v6  }
0xf2: {  	v5 =	vmul.f32 v5, v7  }
0xf3: {  	v6 =	vmul.f32 v4, v2  }
0xf4: {  	v7 =	vmul.f32 v5, v3  }
0xf5: {  	v6 =	vmul.f32 v6, v4  }
0xf6: {  	v7 =	vmul.f32 v7, v5  }
0xf7: {  	v6 =	vsub.f32 $1.500000000e+00, v6  }
0xf8: {  	v7 =	vsub.f32 $1.500000000e+00, v7  }
0xf9: {  	v4 =	vmul.f32 v6, v4  }
0xfa: {  	v5 =	vmul.f32 v7, v5  }
0xfb: {  	v2 =	vmul.f32 v4, v2  }
0xfc: {  	v3 =	vmul.f32 v5, v3  }
0xfd: {  	v2 =	vmul.f32 v2, v4  }
0xfe: {  	v3 =	vmul.f32 v3, v5  }
0xff: {  	v2 =	vsub.f32 $1.500000000e+00, v2  }
0x100: {  	v3 =	vsub.f32 $1.500000000e+00, v3  }
0x101: {  	v2 =	vmul.f32 v2, v4  }
0x102: {  	v0 =	vmax.f32 v0, $0.0e+00;
	v3 =	vmul.f32 v3, v5  }
0x103: {  	v0 =	vmul.f32 v2, v0  }
0x104: {  	v1 =	vmul.f32 v3, v1  }
0x105: {  	v0 =	vnsel vm0, $0x0, v0  }
0x106: {  	(xrf2) =	vadd.scan.msk.f32 $0xffff, v0;
	v1 =	vnsel vm0, $0x0, v1  }
0x107: {  	(xrf2) =	vadd.scan.msk.f32 $0xffff, v1;
	_ =	sdelay $0x6  }
0x108: {  	s17 =	sor.u32 $0x8, s16;
	v3 =	vld [tilespmem:$0x1FFE0];
	v1 =	vmov s16;
	s16 =	sadd.s32 $0x1, s16  }
0x109: {  	v27 =	vlaneseq.u32;
	p0 =	sne.s32 s16, $0x8  }
.Ltmp2:
0x10a: {  	v13 =	vimm.s32 $0x6;
	v14 =	vimm.s32 $0x7;
	v12 =	vimm.s32 $0x5;
	v0, _, _ =	vpop (xrf2);
	(pc) =	sbr.rel @p0 .LBB2_2-.Ltmp2, $4  }
0x10b: {  	v11 =	vimm.s32 $0x4;
	v8 =	vimm.s32 $0x1;
	v0 =	vbroadcast v0, $0xF;
	v2, _, _ =	vpop (xrf2)  }
0x10c: {  	vm9 =	veq.s32 v1, v27;
	v1 =	vmov s17;
	v2 =	vbroadcast v2, $0xF  }
0x10d: {  	v10 =	vimm.s32 $0x3;
	v0 =	vsel vm9, v0, v3;
	vm9 =	veq.s32 v1, v27  }
0x10e: {  	v9 =	vimm.s32 $0x2;
	v7 =	vimm.s32 $0x0;
	v0 =	vsel vm9, v2, v0  }
0x10f: {  	s15 =	sadd.s32 $0x1, s15  }
0x110: {  	p0 =	sne.s32 s15, s8  }
.Ltmp3:
0x111: {  	[tilespmem:$0xC980] =	vst v0;
	(pc) =	sbr.rel @p0 .LBB2_1-.Ltmp3, $4  }
0x112: {  	[hbm4b:s7+s4] =	stream.linear.scatter [tilespmem:s14], [sflag:$0x1], $0x80, $0x38;
	[tilespmem:$0xCA00] =	vst v63  }
0x113: {  	_ =	swait.ge [sflag:s9], $0x80  }
0x114: {  	[sflag:s9] =	ssyncset.done $0x0  }
0x115: {  	[sflag:s9] =	ssyncadd.s32 $0xFFFFFF80  }
0x116: {  	_ =	sfence.sel $0x180000  }
0x117: {  	[bflag:$0x0] =	sbarrier.arrive $0xFFFF  }
0x118: {  	p0 =	sne.s32 s0, $0x0;
	_ =	strace $0x90000047  }
0x119: {  	s0 =	sadd.s32 @!p0 $0x100000, s1;
	[bflag:$0x2] =	sbarrier.arrive $0xFFFF  }
0x11a: {  	[sflag:s0] =	ssyncadd.tile.s32 @!p0 $0x1;
	_ =	shalt  }
.Lfunc_end2:
_tile_overlayer_lowered:
.L_overlay_start_2:
0x11b: {  	(tag) =	ssettag $0x2  }
0x11c: {  	s0 =	rddreg [dreg:$0x0];
	s2 =	stileid.u32  }
0x11d: {  	s1 =	rddreg [dreg:$0x1];
	p0 =	sne.s32 s2, $0x0  }
0x11e: {  	s3 =	rddreg [dreg:$0x2];
	[bflag:$0x3] =	sbarrier.arrive $0xFFFF;
	s2 =	simm.s32 @!p0 $0x1C01  }
0x11f: {  	[timem:s3], [sflag:s2] =	dma.local @!p0 [hbm:s0], s1  }
0x120: {  	s0 =	simm.s32 @!p0 $0x1  }
0x121: {  	_ =	swait.ge @!p0 [sflag:s0], s1  }
0x122: {  	s1 =	ssub.s32 @!p0 $0x0, s1;
	[sflag:s0] =	ssyncset.done @!p0 $0x0  }
0x123: {  	[sflag:s0] =	ssyncadd.s32 @!p0 s1  }
0x124: {  	[bflag:$0x3] =	sbarrier.arrive $0xFFFF  }
0x125: {  	_ =	shalt  }

</sc_bundles>
